<compile_context>
chip_gen: v7x
topology: tpu7x:2x2x1
jax: 0.10.2.dev20260603
libtpu: 0.0.44.dev20260713+nightly
codegen_flags: <defaults>
</compile_context>

<pallas_src>
import functools

import jax
import jax.numpy as jnp
from jax import lax
from jax.experimental import pallas as pl
from jax.experimental.pallas import tpu as pltpu
from jax.experimental.pallas import tpu_sc as plsc

_BS, _K, _S, _D = 1024, 32, 8, 128
_AGG = 0.5
_NC, _NS = 2, 16
_NW = _NC * _NS
_BPW = _BS // _NW
_V = _D // 16


def _sc_body(edge, masks, ent, selfv, sv_out, nv_out,
             ebuf, mbuf, entbuf, nvbuf, selfbuf, svbuf,
             sem_e, sem_s, sem_o):
    wid = lax.axis_index("c") * _NS + lax.axis_index("s")
    b0 = wid * _BPW

    pltpu.sync_copy(selfv.at[pl.ds(b0, _BPW)], selfbuf)

    def start_in(j, sl):
        bb = b0 + j
        pltpu.async_copy(edge.at[pl.ds(bb * (_K * _S), _K * _S)], ebuf.at[sl], sem_e)
        pltpu.async_copy(masks.at[bb], mbuf.at[sl], sem_s)
        pltpu.async_copy(ent.at[pl.ds(bb * _K, _K)], entbuf.at[sl], sem_s)

    def wait_in(j, sl):
        bb = b0 + j
        pltpu.make_async_copy(edge.at[pl.ds(bb * (_K * _S), _K * _S)], ebuf.at[sl], sem_e).wait()
        pltpu.make_async_copy(masks.at[bb], mbuf.at[sl], sem_s).wait()
        pltpu.make_async_copy(ent.at[pl.ds(bb * _K, _K)], entbuf.at[sl], sem_s).wait()

    start_in(0, 0)

    def iter_body(i, _):
        sl = lax.rem(i, 2)
        nsl = 1 - sl
        bb = b0 + i

        @pl.when(i + 1 < _BPW)
        def _():
            start_in(i + 1, nsl)

        @pl.when(i >= 2)
        def _():
            pltpu.make_async_copy(nvbuf.at[sl], nv_out.at[pl.ds((bb - 2) * _K, _K)], sem_o).wait()

        wait_in(i, sl)

        def kk_body(kk, sv_acc):
            m16 = mbuf[sl, pl.ds(kk * 16, 16)]
            for half in range(2):
                k = kk * 2 + half
                cnt = jnp.float32(0.0)
                accs = [jnp.zeros((16,), jnp.float32)] * _V
                for s in range(_S):
                    lane = half * _S + s
                    r = k * _S + s
                    m = m16[lane]
                    cnt = cnt + m
                    mvec = lax.broadcast(m, (16,))
                    for v in range(_V):
                        accs[v] = accs[v] + mvec * ebuf[sl, r, pl.ds(v * 16, 16)]
                scale = (jnp.full((16,), _AGG, jnp.float32)
                         / jnp.maximum(lax.broadcast(cnt, (16,)), 1.0))
                out = []
                for v in range(_V):
                    nv_v = entbuf[sl, k, pl.ds(v * 16, 16)] + scale * accs[v]
                    nvbuf[sl, k, pl.ds(v * 16, 16)] = nv_v
                    out.append(sv_acc[v] + nv_v)
                sv_acc = tuple(out)
            return sv_acc

        sv0 = tuple(jnp.zeros((16,), jnp.float32) for _ in range(_V))
        sv = lax.fori_loop(0, _K // 2, kk_body, sv0)
        for v in range(_V):
            svbuf[i, pl.ds(v * 16, 16)] = (
                selfbuf[i, pl.ds(v * 16, 16)] + sv[v] * jnp.float32(_AGG / _K))

        pltpu.async_copy(nvbuf.at[sl], nv_out.at[pl.ds(bb * _K, _K)], sem_o)
        return 0

    lax.fori_loop(0, _BPW, iter_body, 0)

    for j in (_BPW - 2, _BPW - 1):
        pltpu.make_async_copy(
            nvbuf.at[lax.rem(jnp.int32(j), 2)],
            nv_out.at[pl.ds((b0 + j) * _K, _K)], sem_o).wait()

    pltpu.sync_copy(svbuf, sv_out.at[pl.ds(b0, _BPW)])


@functools.cache
def _build_sc_call():
    return functools.partial(
        pl.kernel,
        mesh=plsc.VectorSubcoreMesh(core_axis_name="c", subcore_axis_name="s"),
        out_type=[
            jax.ShapeDtypeStruct((_BS, _D), jnp.float32),
            jax.ShapeDtypeStruct((_BS * _K, _D), jnp.float32),
        ],
        scratch_types=[
            pltpu.VMEM((2, _K * _S, _D), jnp.float32),
            pltpu.VMEM((2, _K * _S), jnp.float32),
            pltpu.VMEM((2, _K, _D), jnp.float32),
            pltpu.VMEM((2, _K, _D), jnp.float32),
            pltpu.VMEM((_BPW, _D), jnp.float32),
            pltpu.VMEM((_BPW, _D), jnp.float32),
            pltpu.SemaphoreType.DMA,
            pltpu.SemaphoreType.DMA,
            pltpu.SemaphoreType.DMA,
        ],
    )(_sc_body)


def kernel(self_vectors, neighbor_entity_vectors, neighbor_edge_vectors, masks, W, b):
    del W, b
    bs = self_vectors.shape[0]
    edge2 = neighbor_edge_vectors.reshape(_BS * _K * _S, _D)
    masks2 = masks.reshape(_BS, _K * _S)
    ent2 = neighbor_entity_vectors.reshape(_BS * _K, _D)
    self2 = self_vectors.reshape(_BS, _D)
    sv, nv = _build_sc_call()(edge2, masks2, ent2, self2)
    return (sv.reshape(bs, -1, _D), nv.reshape(_BS, 1, _K, _D))

# --- scband reference (transcript-rebuilt; emitter-appended) ---
"""Pipeline reference for scband-mean-aggregator-17566416241100 (READ-ONLY COPY).

The authoritative reference and input builder live on the scoring server;
editing this copy changes nothing except your own understanding.
"""

import jax, jax.numpy as jnp
import numpy as np

EMB_DIM = 128
AGG_PARAM = 0.5
SELF_INCLUDED = True
BS, N, K, S = 1024, 1, 32, 8


def setup_inputs(seed: int = 0) -> dict:
    key = jax.random.key(seed)
    k1, k2, k3, k4, k5 = jax.random.split(key, 5)
    self_vectors = jax.random.normal(k1, (BS, N, EMB_DIM), dtype=jnp.float32)
    neighbor_entity_vectors = jax.random.normal(k2, (BS, N, K, EMB_DIM), dtype=jnp.float32)
    neighbor_edge_vectors = jax.random.normal(k3, (BS, N, K, S, EMB_DIM), dtype=jnp.float32)
    masks = jax.random.randint(k4, (BS, N, K, S, 1), 0, 2).astype(jnp.float32)
    # nn.Linear(emb_dim, emb_dim) params (xavier_uniform weight, default bias);
    # defined in the module but never used inside _call -- kept for faithfulness.
    limit = float(np.sqrt(6.0 / (EMB_DIM + EMB_DIM)))
    W = jax.random.uniform(k5, (EMB_DIM, EMB_DIM), dtype=jnp.float32, minval=-limit, maxval=limit)
    b = jnp.zeros((EMB_DIM,), dtype=jnp.float32)
    return {
        'self_vectors': self_vectors,
        'neighbor_entity_vectors': neighbor_entity_vectors,
        'neighbor_edge_vectors': neighbor_edge_vectors,
        'masks': masks,
        'W': W,
        'b': b,
    }


def reference(self_vectors, neighbor_entity_vectors, neighbor_edge_vectors, masks, W, b):
    # Aggregator.forward
    nei_nums = jnp.sum(masks, axis=-2)                      # [BS, N, K, 1]
    nei_nums = jnp.where(nei_nums == 0, 1.0, nei_nums)      # nei_nums[nei_nums==0]=1
    edge_agg = jnp.sum(neighbor_edge_vectors * masks, axis=-2) / nei_nums  # [BS, N, K, D]
    # MeanAggregator._call
    bs = self_vectors.shape[0]
    neighbor_vectors = neighbor_entity_vectors + AGG_PARAM * edge_agg      # [BS, N, K, D]
    if SELF_INCLUDED:
        sv = self_vectors.reshape(bs, -1, EMB_DIM)          # [BS, N, D]
        if sv.ndim < neighbor_vectors.ndim - 1:
            sv = sv + AGG_PARAM * jnp.mean(neighbor_vectors, axis=-2).reshape(bs, -1, EMB_DIM)
        else:
            sv = sv + AGG_PARAM * jnp.mean(neighbor_vectors, axis=-2)
    else:
        sv = jnp.mean(neighbor_vectors, axis=-2)
    return (sv, neighbor_vectors)

if __name__ == "__main__":
    import jax
    _d = setup_inputs()
    print(jax.jit(kernel)(*tuple(_d.values())))

</pallas_src>

<mosaic_0001>
#map = affine_map<(d0, d1) -> (0, 0)>
module attributes {stable_mosaic.version = 14 : i64} {
  func.func @_sc_body(%arg0: i32, %arg1: i32, %arg2: memref<262144x128xf32, #tpu.memory_space<hbm>>, %arg3: memref<1024x256xf32, #tpu.memory_space<hbm>>, %arg4: memref<32768x128xf32, #tpu.memory_space<hbm>>, %arg5: memref<1024x128xf32, #tpu.memory_space<hbm>>, %arg6: memref<1024x128xf32, #tpu.memory_space<hbm>>, %arg7: memref<32768x128xf32, #tpu.memory_space<hbm>>, %arg8: memref<2x256x128xf32, #tpu.memory_space<vmem>>, %arg9: memref<2x256xf32, #tpu.memory_space<vmem>>, %arg10: memref<2x32x128xf32, #tpu.memory_space<vmem>>, %arg11: memref<2x32x128xf32, #tpu.memory_space<vmem>>, %arg12: memref<32x128xf32, #tpu.memory_space<vmem>>, %arg13: memref<32x128xf32, #tpu.memory_space<vmem>>, %arg14: memref<!tpu.dma_semaphore, #tpu.memory_space<semaphore_mem>>, %arg15: memref<!tpu.dma_semaphore, #tpu.memory_space<semaphore_mem>>, %arg16: memref<!tpu.dma_semaphore, #tpu.memory_space<semaphore_mem>>) attributes {dimension_semantics = [#tpu.dimension_semantics<core_parallel>, #tpu.dimension_semantics<subcore_parallel>], iteration_bounds = array<i64: 2, 16>, scalar_prefetch = 0 : i64, scratch_operands = 9 : i64, tpu.core_type = #tpu.core_type<sc_vector_subcore>, window_params = [{transform_indices = #map}, {transform_indices = #map}, {transform_indices = #map}, {transform_indices = #map}, {transform_indices = #map}, {transform_indices = #map}]} {
    %mul3A = arith.constant 16 : i32
    %mul3A_0 = arith.muli %arg0, %mul3A : i32
    %add3A = arith.addi %mul3A_0, %arg1 : i32
    %mul3A_1 = arith.constant 32 : i32
    %mul3A_2 = arith.muli %add3A, %mul3A_1 : i32
    "tpu.region"() ({
      %run_scoped3A = tpu.sem_alloc : memref<!tpu.dma_semaphore, #tpu.memory_space<semaphore_mem>>
      %dma_start3A_89 = arith.constant 0 : i32
      %dma_start3A_90 = tpu.memref_slice %arg5[%mul3A_2, %dma_start3A_89] : memref<1024x128xf32, #tpu.memory_space<hbm>> -> memref<32x128xf32, #tpu.memory_space<hbm>>
      %dma_start3A_91 = arith.constant 0 : i32
      %dma_start3A_92 = tpu.memref_slice %arg5[%mul3A_2, %dma_start3A_91] : memref<1024x128xf32, #tpu.memory_space<hbm>> -> memref<32x128xf32, #tpu.memory_space<hbm>>
      tpu.enqueue_dma source(%dma_start3A_92 : memref<32x128xf32, #tpu.memory_space<hbm>>) target(%arg12 : memref<32x128xf32, #tpu.memory_space<vmem>>) target_semaphore(%run_scoped3A : memref<!tpu.dma_semaphore, #tpu.memory_space<semaphore_mem>>)
      %dma_wait3A_93 = arith.constant 0 : i32
      %dma_wait3A_94 = tpu.memref_slice %arg5[%mul3A_2, %dma_wait3A_93] : memref<1024x128xf32, #tpu.memory_space<hbm>> -> memref<32x128xf32, #tpu.memory_space<hbm>>
      %dma_wait3A_95 = arith.constant 0 : i32
      %dma_wait3A_96 = tpu.memref_slice %arg5[%mul3A_2, %dma_wait3A_95] : memref<1024x128xf32, #tpu.memory_space<hbm>> -> memref<32x128xf32, #tpu.memory_space<hbm>>
      tpu.wait_dma2 semaphore(%run_scoped3A : memref<!tpu.dma_semaphore, #tpu.memory_space<semaphore_mem>>) src(%dma_wait3A_96 : memref<32x128xf32, #tpu.memory_space<hbm>>) dst(%arg12 : memref<32x128xf32, #tpu.memory_space<vmem>>)
      tpu.yield
    }) : () -> ()
    %add3A_3 = arith.constant 0 : i32
    %add3A_4 = arith.addi %mul3A_2, %add3A_3 : i32
    %mul3A_5 = arith.constant 256 : i32
    %mul3A_6 = arith.muli %add3A_4, %mul3A_5 : i32
    %dma_start3A = arith.constant 0 : i32
    %dma_start3A_7 = arith.constant 0 : i32
    %dma_start3A_8 = arith.constant 0 : i32
    %dma_start3A_9 = tpu.memref_slice %arg8[%dma_start3A, %dma_start3A_7, %dma_start3A_8] : memref<2x256x128xf32, #tpu.memory_space<vmem>> -> memref<1x256x128xf32, #tpu.memory_space<vmem>>
    %dma_start3A_10 = tpu.memref_squeeze %dma_start3A_9 : memref<1x256x128xf32, #tpu.memory_space<vmem>> -> memref<256x128xf32, #tpu.memory_space<vmem>>
    %dma_start3A_11 = arith.constant 0 : i32
    %dma_start3A_12 = tpu.memref_slice %arg2[%mul3A_6, %dma_start3A_11] : memref<262144x128xf32, #tpu.memory_space<hbm>> -> memref<256x128xf32, #tpu.memory_space<hbm>>
    %dma_start3A_13 = arith.constant 0 : i32
    %dma_start3A_14 = arith.constant 0 : i32
    %dma_start3A_15 = tpu.memref_slice %arg8[%dma_start3A, %dma_start3A_13, %dma_start3A_14] : memref<2x256x128xf32, #tpu.memory_space<vmem>> -> memref<1x256x128xf32, #tpu.memory_space<vmem>>
    %dma_start3A_16 = tpu.memref_squeeze %dma_start3A_15 : memref<1x256x128xf32, #tpu.memory_space<vmem>> -> memref<256x128xf32, #tpu.memory_space<vmem>>
    %dma_start3A_17 = arith.constant 0 : i32
    %dma_start3A_18 = tpu.memref_slice %arg2[%mul3A_6, %dma_start3A_17] : memref<262144x128xf32, #tpu.memory_space<hbm>> -> memref<256x128xf32, #tpu.memory_space<hbm>>
    tpu.enqueue_dma source(%dma_start3A_18 : memref<256x128xf32, #tpu.memory_space<hbm>>) target(%dma_start3A_16 : memref<256x128xf32, #tpu.memory_space<vmem>>) target_semaphore(%arg14 : memref<!tpu.dma_semaphore, #tpu.memory_space<semaphore_mem>>)
    %dma_start3A_19 = arith.constant 0 : i32
    %dma_start3A_20 = arith.constant 0 : i32
    %dma_start3A_21 = tpu.memref_slice %arg9[%dma_start3A_19, %dma_start3A_20] : memref<2x256xf32, #tpu.memory_space<vmem>> -> memref<1x256xf32, #tpu.memory_space<vmem>>
    %dma_start3A_22 = tpu.memref_squeeze %dma_start3A_21 : memref<1x256xf32, #tpu.memory_space<vmem>> -> memref<256xf32, #tpu.memory_space<vmem>>
    %dma_start3A_23 = arith.constant 0 : i32
    %dma_start3A_24 = tpu.memref_slice %arg3[%add3A_4, %dma_start3A_23] : memref<1024x256xf32, #tpu.memory_space<hbm>> -> memref<1x256xf32, #tpu.memory_space<hbm>>
    %dma_start3A_25 = tpu.memref_squeeze %dma_start3A_24 : memref<1x256xf32, #tpu.memory_space<hbm>> -> memref<256xf32, #tpu.memory_space<hbm>>
    %dma_start3A_26 = arith.constant 0 : i32
    %dma_start3A_27 = tpu.memref_slice %arg9[%dma_start3A_19, %dma_start3A_26] : memref<2x256xf32, #tpu.memory_space<vmem>> -> memref<1x256xf32, #tpu.memory_space<vmem>>
    %dma_start3A_28 = tpu.memref_squeeze %dma_start3A_27 : memref<1x256xf32, #tpu.memory_space<vmem>> -> memref<256xf32, #tpu.memory_space<vmem>>
    %dma_start3A_29 = arith.constant 0 : i32
    %dma_start3A_30 = tpu.memref_slice %arg3[%add3A_4, %dma_start3A_29] : memref<1024x256xf32, #tpu.memory_space<hbm>> -> memref<1x256xf32, #tpu.memory_space<hbm>>
    %dma_start3A_31 = tpu.memref_squeeze %dma_start3A_30 : memref<1x256xf32, #tpu.memory_space<hbm>> -> memref<256xf32, #tpu.memory_space<hbm>>
    tpu.enqueue_dma source(%dma_start3A_31 : memref<256xf32, #tpu.memory_space<hbm>>) target(%dma_start3A_28 : memref<256xf32, #tpu.memory_space<vmem>>) target_semaphore(%arg15 : memref<!tpu.dma_semaphore, #tpu.memory_space<semaphore_mem>>)
    %mul3A_32 = arith.constant 32 : i32
    %mul3A_33 = arith.muli %add3A_4, %mul3A_32 : i32
    %dma_start3A_34 = arith.constant 0 : i32
    %dma_start3A_35 = arith.constant 0 : i32
    %dma_start3A_36 = arith.constant 0 : i32
    %dma_start3A_37 = tpu.memref_slice %arg10[%dma_start3A_34, %dma_start3A_35, %dma_start3A_36] : memref<2x32x128xf32, #tpu.memory_space<vmem>> -> memref<1x32x128xf32, #tpu.memory_space<vmem>>
    %dma_start3A_38 = tpu.memref_squeeze %dma_start3A_37 : memref<1x32x128xf32, #tpu.memory_space<vmem>> -> memref<32x128xf32, #tpu.memory_space<vmem>>
    %dma_start3A_39 = arith.constant 0 : i32
    %dma_start3A_40 = tpu.memref_slice %arg4[%mul3A_33, %dma_start3A_39] : memref<32768x128xf32, #tpu.memory_space<hbm>> -> memref<32x128xf32, #tpu.memory_space<hbm>>
    %dma_start3A_41 = arith.constant 0 : i32
    %dma_start3A_42 = arith.constant 0 : i32
    %dma_start3A_43 = tpu.memref_slice %arg10[%dma_start3A_34, %dma_start3A_41, %dma_start3A_42] : memref<2x32x128xf32, #tpu.memory_space<vmem>> -> memref<1x32x128xf32, #tpu.memory_space<vmem>>
    %dma_start3A_44 = tpu.memref_squeeze %dma_start3A_43 : memref<1x32x128xf32, #tpu.memory_space<vmem>> -> memref<32x128xf32, #tpu.memory_space<vmem>>
    %dma_start3A_45 = arith.constant 0 : i32
    %dma_start3A_46 = tpu.memref_slice %arg4[%mul3A_33, %dma_start3A_45] : memref<32768x128xf32, #tpu.memory_space<hbm>> -> memref<32x128xf32, #tpu.memory_space<hbm>>
    tpu.enqueue_dma source(%dma_start3A_46 : memref<32x128xf32, #tpu.memory_space<hbm>>) target(%dma_start3A_44 : memref<32x128xf32, #tpu.memory_space<vmem>>) target_semaphore(%arg15 : memref<!tpu.dma_semaphore, #tpu.memory_space<semaphore_mem>>)
    %scan3A = arith.constant 0 : i32
    %scan3A_47 = arith.constant 0 : i32
    %scan3A_48 = arith.constant 32 : i32
    %scan3A_49 = arith.addi %scan3A_47, %scan3A_48 : i32
    %scan3A_50 = arith.constant 1 : i32
    %scan3A_51 = scf.for %scan3A_89 = %scan3A_47 to %scan3A_49 step %scan3A_50 iter_args(%scan3A_90 = %scan3A) -> (i32)  : i32 {
      %rem3A_91 = arith.constant 2 : i32
      %rem3A_92 = arith.remsi %scan3A_89, %rem3A_91 : i32
      %sub3A = arith.constant 1 : i32
      %sub3A_93 = arith.subi %sub3A, %rem3A_92 : i32
      %add3A_94 = arith.addi %mul3A_2, %scan3A_89 : i32
      %add3A_95 = arith.constant 1 : i32
      %add3A_96 = arith.addi %scan3A_89, %add3A_95 : i32
      %lt3A = arith.constant 32 : i32
      %lt3A_97 = arith.cmpi slt, %add3A_96, %lt3A : i32
      %convert_element_type3A = arith.extui %lt3A_97 : i1 to i32
      %cond3A = arith.constant 0 : i32
      %cond3A_98 = arith.cmpi ne, %convert_element_type3A, %cond3A : i32
      scf.if %cond3A_98 {
        %add3A_282 = arith.constant 1 : i32
        %add3A_283 = arith.addi %scan3A_89, %add3A_282 : i32
        %add3A_284 = arith.addi %mul3A_2, %add3A_283 : i32
        %mul3A_285 = arith.constant 256 : i32
        %mul3A_286 = arith.muli %add3A_284, %mul3A_285 : i32
        %dma_start3A_287 = arith.constant 0 : i32
        %dma_start3A_288 = arith.constant 0 : i32
        %dma_start3A_289 = tpu.memref_slice %arg8[%sub3A_93, %dma_start3A_287, %dma_start3A_288] : memref<2x256x128xf32, #tpu.memory_space<vmem>> -> memref<1x256x128xf32, #tpu.memory_space<vmem>>
        %dma_start3A_290 = tpu.memref_squeeze %dma_start3A_289 : memref<1x256x128xf32, #tpu.memory_space<vmem>> -> memref<256x128xf32, #tpu.memory_space<vmem>>
        %dma_start3A_291 = arith.constant 0 : i32
        %dma_start3A_292 = tpu.memref_slice %arg2[%mul3A_286, %dma_start3A_291] : memref<262144x128xf32, #tpu.memory_space<hbm>> -> memref<256x128xf32, #tpu.memory_space<hbm>>
        %dma_start3A_293 = arith.constant 0 : i32
        %dma_start3A_294 = arith.constant 0 : i32
        %dma_start3A_295 = tpu.memref_slice %arg8[%sub3A_93, %dma_start3A_293, %dma_start3A_294] : memref<2x256x128xf32, #tpu.memory_space<vmem>> -> memref<1x256x128xf32, #tpu.memory_space<vmem>>
        %dma_start3A_296 = tpu.memref_squeeze %dma_start3A_295 : memref<1x256x128xf32, #tpu.memory_space<vmem>> -> memref<256x128xf32, #tpu.memory_space<vmem>>
        %dma_start3A_297 = arith.constant 0 : i32
        %dma_start3A_298 = tpu.memref_slice %arg2[%mul3A_286, %dma_start3A_297] : memref<262144x128xf32, #tpu.memory_space<hbm>> -> memref<256x128xf32, #tpu.memory_space<hbm>>
        tpu.enqueue_dma source(%dma_start3A_298 : memref<256x128xf32, #tpu.memory_space<hbm>>) target(%dma_start3A_296 : memref<256x128xf32, #tpu.memory_space<vmem>>) target_semaphore(%arg14 : memref<!tpu.dma_semaphore, #tpu.memory_space<semaphore_mem>>)
        %dma_start3A_299 = arith.constant 0 : i32
        %dma_start3A_300 = tpu.memref_slice %arg9[%sub3A_93, %dma_start3A_299] : memref<2x256xf32, #tpu.memory_space<vmem>> -> memref<1x256xf32, #tpu.memory_space<vmem>>
        %dma_start3A_301 = tpu.memref_squeeze %dma_start3A_300 : memref<1x256xf32, #tpu.memory_space<vmem>> -> memref<256xf32, #tpu.memory_space<vmem>>
        %dma_start3A_302 = arith.constant 0 : i32
        %dma_start3A_303 = tpu.memref_slice %arg3[%add3A_284, %dma_start3A_302] : memref<1024x256xf32, #tpu.memory_space<hbm>> -> memref<1x256xf32, #tpu.memory_space<hbm>>
        %dma_start3A_304 = tpu.memref_squeeze %dma_start3A_303 : memref<1x256xf32, #tpu.memory_space<hbm>> -> memref<256xf32, #tpu.memory_space<hbm>>
        %dma_start3A_305 = arith.constant 0 : i32
        %dma_start3A_306 = tpu.memref_slice %arg9[%sub3A_93, %dma_start3A_305] : memref<2x256xf32, #tpu.memory_space<vmem>> -> memref<1x256xf32, #tpu.memory_space<vmem>>
        %dma_start3A_307 = tpu.memref_squeeze %dma_start3A_306 : memref<1x256xf32, #tpu.memory_space<vmem>> -> memref<256xf32, #tpu.memory_space<vmem>>
        %dma_start3A_308 = arith.constant 0 : i32
        %dma_start3A_309 = tpu.memref_slice %arg3[%add3A_284, %dma_start3A_308] : memref<1024x256xf32, #tpu.memory_space<hbm>> -> memref<1x256xf32, #tpu.memory_space<hbm>>
        %dma_start3A_310 = tpu.memref_squeeze %dma_start3A_309 : memref<1x256xf32, #tpu.memory_space<hbm>> -> memref<256xf32, #tpu.memory_space<hbm>>
        tpu.enqueue_dma source(%dma_start3A_310 : memref<256xf32, #tpu.memory_space<hbm>>) target(%dma_start3A_307 : memref<256xf32, #tpu.memory_space<vmem>>) target_semaphore(%arg15 : memref<!tpu.dma_semaphore, #tpu.memory_space<semaphore_mem>>)
        %mul3A_311 = arith.constant 32 : i32
        %mul3A_312 = arith.muli %add3A_284, %mul3A_311 : i32
        %dma_start3A_313 = arith.constant 0 : i32
        %dma_start3A_314 = arith.constant 0 : i32
        %dma_start3A_315 = tpu.memref_slice %arg10[%sub3A_93, %dma_start3A_313, %dma_start3A_314] : memref<2x32x128xf32, #tpu.memory_space<vmem>> -> memref<1x32x128xf32, #tpu.memory_space<vmem>>
        %dma_start3A_316 = tpu.memref_squeeze %dma_start3A_315 : memref<1x32x128xf32, #tpu.memory_space<vmem>> -> memref<32x128xf32, #tpu.memory_space<vmem>>
        %dma_start3A_317 = arith.constant 0 : i32
        %dma_start3A_318 = tpu.memref_slice %arg4[%mul3A_312, %dma_start3A_317] : memref<32768x128xf32, #tpu.memory_space<hbm>> -> memref<32x128xf32, #tpu.memory_space<hbm>>
        %dma_start3A_319 = arith.constant 0 : i32
        %dma_start3A_320 = arith.constant 0 : i32
        %dma_start3A_321 = tpu.memref_slice %arg10[%sub3A_93, %dma_start3A_319, %dma_start3A_320] : memref<2x32x128xf32, #tpu.memory_space<vmem>> -> memref<1x32x128xf32, #tpu.memory_space<vmem>>
        %dma_start3A_322 = tpu.memref_squeeze %dma_start3A_321 : memref<1x32x128xf32, #tpu.memory_space<vmem>> -> memref<32x128xf32, #tpu.memory_space<vmem>>
        %dma_start3A_323 = arith.constant 0 : i32
        %dma_start3A_324 = tpu.memref_slice %arg4[%mul3A_312, %dma_start3A_323] : memref<32768x128xf32, #tpu.memory_space<hbm>> -> memref<32x128xf32, #tpu.memory_space<hbm>>
        tpu.enqueue_dma source(%dma_start3A_324 : memref<32x128xf32, #tpu.memory_space<hbm>>) target(%dma_start3A_322 : memref<32x128xf32, #tpu.memory_space<vmem>>) target_semaphore(%arg15 : memref<!tpu.dma_semaphore, #tpu.memory_space<semaphore_mem>>)
      } else {
      }
      %ge3A = arith.constant 2 : i32
      %ge3A_99 = arith.cmpi sge, %scan3A_89, %ge3A : i32
      %convert_element_type3A_100 = arith.extui %ge3A_99 : i1 to i32
      %cond3A_101 = arith.constant 0 : i32
      %cond3A_102 = arith.cmpi ne, %convert_element_type3A_100, %cond3A_101 : i32
      scf.if %cond3A_102 {
        %sub3A_282 = arith.constant 2 : i32
        %sub3A_283 = arith.subi %add3A_94, %sub3A_282 : i32
        %mul3A_284 = arith.constant 32 : i32
        %mul3A_285 = arith.muli %sub3A_283, %mul3A_284 : i32
        %dma_wait3A_286 = arith.constant 0 : i32
        %dma_wait3A_287 = arith.constant 0 : i32
        %dma_wait3A_288 = tpu.memref_slice %arg11[%rem3A_92, %dma_wait3A_286, %dma_wait3A_287] : memref<2x32x128xf32, #tpu.memory_space<vmem>> -> memref<1x32x128xf32, #tpu.memory_space<vmem>>
        %dma_wait3A_289 = tpu.memref_squeeze %dma_wait3A_288 : memref<1x32x128xf32, #tpu.memory_space<vmem>> -> memref<32x128xf32, #tpu.memory_space<vmem>>
        %dma_wait3A_290 = arith.constant 0 : i32
        %dma_wait3A_291 = tpu.memref_slice %arg7[%mul3A_285, %dma_wait3A_290] : memref<32768x128xf32, #tpu.memory_space<hbm>> -> memref<32x128xf32, #tpu.memory_space<hbm>>
        %dma_wait3A_292 = arith.constant 0 : i32
        %dma_wait3A_293 = tpu.memref_slice %arg7[%mul3A_285, %dma_wait3A_292] : memref<32768x128xf32, #tpu.memory_space<hbm>> -> memref<32x128xf32, #tpu.memory_space<hbm>>
        %dma_wait3A_294 = arith.constant 0 : i32
        %dma_wait3A_295 = arith.constant 0 : i32
        %dma_wait3A_296 = tpu.memref_slice %arg11[%rem3A_92, %dma_wait3A_294, %dma_wait3A_295] : memref<2x32x128xf32, #tpu.memory_space<vmem>> -> memref<1x32x128xf32, #tpu.memory_space<vmem>>
        %dma_wait3A_297 = tpu.memref_squeeze %dma_wait3A_296 : memref<1x32x128xf32, #tpu.memory_space<vmem>> -> memref<32x128xf32, #tpu.memory_space<vmem>>
        tpu.wait_dma2 semaphore(%arg16 : memref<!tpu.dma_semaphore, #tpu.memory_space<semaphore_mem>>) src(%dma_wait3A_297 : memref<32x128xf32, #tpu.memory_space<vmem>>) dst(%dma_wait3A_293 : memref<32x128xf32, #tpu.memory_space<hbm>>)
      } else {
      }
      %add3A_103 = arith.addi %mul3A_2, %scan3A_89 : i32
      %mul3A_104 = arith.constant 256 : i32
      %mul3A_105 = arith.muli %add3A_103, %mul3A_104 : i32
      %dma_wait3A_106 = arith.constant 0 : i32
      %dma_wait3A_107 = arith.constant 0 : i32
      %dma_wait3A_108 = tpu.memref_slice %arg8[%rem3A_92, %dma_wait3A_106, %dma_wait3A_107] : memref<2x256x128xf32, #tpu.memory_space<vmem>> -> memref<1x256x128xf32, #tpu.memory_space<vmem>>
      %dma_wait3A_109 = tpu.memref_squeeze %dma_wait3A_108 : memref<1x256x128xf32, #tpu.memory_space<vmem>> -> memref<256x128xf32, #tpu.memory_space<vmem>>
      %dma_wait3A_110 = arith.constant 0 : i32
      %dma_wait3A_111 = tpu.memref_slice %arg2[%mul3A_105, %dma_wait3A_110] : memref<262144x128xf32, #tpu.memory_space<hbm>> -> memref<256x128xf32, #tpu.memory_space<hbm>>
      %dma_wait3A_112 = arith.constant 0 : i32
      %dma_wait3A_113 = arith.constant 0 : i32
      %dma_wait3A_114 = tpu.memref_slice %arg8[%rem3A_92, %dma_wait3A_112, %dma_wait3A_113] : memref<2x256x128xf32, #tpu.memory_space<vmem>> -> memref<1x256x128xf32, #tpu.memory_space<vmem>>
      %dma_wait3A_115 = tpu.memref_squeeze %dma_wait3A_114 : memref<1x256x128xf32, #tpu.memory_space<vmem>> -> memref<256x128xf32, #tpu.memory_space<vmem>>
      %dma_wait3A_116 = arith.constant 0 : i32
      %dma_wait3A_117 = tpu.memref_slice %arg2[%mul3A_105, %dma_wait3A_116] : memref<262144x128xf32, #tpu.memory_space<hbm>> -> memref<256x128xf32, #tpu.memory_space<hbm>>
      tpu.wait_dma2 semaphore(%arg14 : memref<!tpu.dma_semaphore, #tpu.memory_space<semaphore_mem>>) src(%dma_wait3A_117 : memref<256x128xf32, #tpu.memory_space<hbm>>) dst(%dma_wait3A_115 : memref<256x128xf32, #tpu.memory_space<vmem>>)
      %dma_wait3A_118 = arith.constant 0 : i32
      %dma_wait3A_119 = tpu.memref_slice %arg9[%rem3A_92, %dma_wait3A_118] : memref<2x256xf32, #tpu.memory_space<vmem>> -> memref<1x256xf32, #tpu.memory_space<vmem>>
      %dma_wait3A_120 = tpu.memref_squeeze %dma_wait3A_119 : memref<1x256xf32, #tpu.memory_space<vmem>> -> memref<256xf32, #tpu.memory_space<vmem>>
      %dma_wait3A_121 = arith.constant 0 : i32
      %dma_wait3A_122 = tpu.memref_slice %arg3[%add3A_103, %dma_wait3A_121] : memref<1024x256xf32, #tpu.memory_space<hbm>> -> memref<1x256xf32, #tpu.memory_space<hbm>>
      %dma_wait3A_123 = tpu.memref_squeeze %dma_wait3A_122 : memref<1x256xf32, #tpu.memory_space<hbm>> -> memref<256xf32, #tpu.memory_space<hbm>>
      %dma_wait3A_124 = arith.constant 0 : i32
      %dma_wait3A_125 = tpu.memref_slice %arg9[%rem3A_92, %dma_wait3A_124] : memref<2x256xf32, #tpu.memory_space<vmem>> -> memref<1x256xf32, #tpu.memory_space<vmem>>
      %dma_wait3A_126 = tpu.memref_squeeze %dma_wait3A_125 : memref<1x256xf32, #tpu.memory_space<vmem>> -> memref<256xf32, #tpu.memory_space<vmem>>
      %dma_wait3A_127 = arith.constant 0 : i32
      %dma_wait3A_128 = tpu.memref_slice %arg3[%add3A_103, %dma_wait3A_127] : memref<1024x256xf32, #tpu.memory_space<hbm>> -> memref<1x256xf32, #tpu.memory_space<hbm>>
      %dma_wait3A_129 = tpu.memref_squeeze %dma_wait3A_128 : memref<1x256xf32, #tpu.memory_space<hbm>> -> memref<256xf32, #tpu.memory_space<hbm>>
      tpu.wait_dma2 semaphore(%arg15 : memref<!tpu.dma_semaphore, #tpu.memory_space<semaphore_mem>>) src(%dma_wait3A_129 : memref<256xf32, #tpu.memory_space<hbm>>) dst(%dma_wait3A_126 : memref<256xf32, #tpu.memory_space<vmem>>)
      %mul3A_130 = arith.constant 32 : i32
      %mul3A_131 = arith.muli %add3A_103, %mul3A_130 : i32
      %dma_wait3A_132 = arith.constant 0 : i32
      %dma_wait3A_133 = arith.constant 0 : i32
      %dma_wait3A_134 = tpu.memref_slice %arg10[%rem3A_92, %dma_wait3A_132, %dma_wait3A_133] : memref<2x32x128xf32, #tpu.memory_space<vmem>> -> memref<1x32x128xf32, #tpu.memory_space<vmem>>
      %dma_wait3A_135 = tpu.memref_squeeze %dma_wait3A_134 : memref<1x32x128xf32, #tpu.memory_space<vmem>> -> memref<32x128xf32, #tpu.memory_space<vmem>>
      %dma_wait3A_136 = arith.constant 0 : i32
      %dma_wait3A_137 = tpu.memref_slice %arg4[%mul3A_131, %dma_wait3A_136] : memref<32768x128xf32, #tpu.memory_space<hbm>> -> memref<32x128xf32, #tpu.memory_space<hbm>>
      %dma_wait3A_138 = arith.constant 0 : i32
      %dma_wait3A_139 = arith.constant 0 : i32
      %dma_wait3A_140 = tpu.memref_slice %arg10[%rem3A_92, %dma_wait3A_138, %dma_wait3A_139] : memref<2x32x128xf32, #tpu.memory_space<vmem>> -> memref<1x32x128xf32, #tpu.memory_space<vmem>>
      %dma_wait3A_141 = tpu.memref_squeeze %dma_wait3A_140 : memref<1x32x128xf32, #tpu.memory_space<vmem>> -> memref<32x128xf32, #tpu.memory_space<vmem>>
      %dma_wait3A_142 = arith.constant 0 : i32
      %dma_wait3A_143 = tpu.memref_slice %arg4[%mul3A_131, %dma_wait3A_142] : memref<32768x128xf32, #tpu.memory_space<hbm>> -> memref<32x128xf32, #tpu.memory_space<hbm>>
      tpu.wait_dma2 semaphore(%arg15 : memref<!tpu.dma_semaphore, #tpu.memory_space<semaphore_mem>>) src(%dma_wait3A_143 : memref<32x128xf32, #tpu.memory_space<hbm>>) dst(%dma_wait3A_141 : memref<32x128xf32, #tpu.memory_space<vmem>>)
      %broadcast_in_dim3A = arith.constant 0.000000e+00 : f32
      %broadcast_in_dim3A_144 = vector.broadcast %broadcast_in_dim3A : f32 to vector<16xf32>
      %broadcast_in_dim3A_145 = arith.constant 0.000000e+00 : f32
      %broadcast_in_dim3A_146 = vector.broadcast %broadcast_in_dim3A_145 : f32 to vector<16xf32>
      %broadcast_in_dim3A_147 = arith.constant 0.000000e+00 : f32
      %broadcast_in_dim3A_148 = vector.broadcast %broadcast_in_dim3A_147 : f32 to vector<16xf32>
      %broadcast_in_dim3A_149 = arith.constant 0.000000e+00 : f32
      %broadcast_in_dim3A_150 = vector.broadcast %broadcast_in_dim3A_149 : f32 to vector<16xf32>
      %broadcast_in_dim3A_151 = arith.constant 0.000000e+00 : f32
      %broadcast_in_dim3A_152 = vector.broadcast %broadcast_in_dim3A_151 : f32 to vector<16xf32>
      %broadcast_in_dim3A_153 = arith.constant 0.000000e+00 : f32
      %broadcast_in_dim3A_154 = vector.broadcast %broadcast_in_dim3A_153 : f32 to vector<16xf32>
      %broadcast_in_dim3A_155 = arith.constant 0.000000e+00 : f32
      %broadcast_in_dim3A_156 = vector.broadcast %broadcast_in_dim3A_155 : f32 to vector<16xf32>
      %broadcast_in_dim3A_157 = arith.constant 0.000000e+00 : f32
      %broadcast_in_dim3A_158 = vector.broadcast %broadcast_in_dim3A_157 : f32 to vector<16xf32>
      %scan3A_159 = arith.constant 0 : i32
      %scan3A_160 = arith.constant 16 : i32
      %scan3A_161 = arith.addi %scan3A_159, %scan3A_160 : i32
      %scan3A_162 = arith.constant 1 : i32
      %scan3A_163:8 = scf.for %scan3A_282 = %scan3A_159 to %scan3A_161 step %scan3A_162 iter_args(%scan3A_283 = %broadcast_in_dim3A_144, %scan3A_284 = %broadcast_in_dim3A_146, %scan3A_285 = %broadcast_in_dim3A_148, %scan3A_286 = %broadcast_in_dim3A_150, %scan3A_287 = %broadcast_in_dim3A_152, %scan3A_288 = %broadcast_in_dim3A_154, %scan3A_289 = %broadcast_in_dim3A_156, %scan3A_290 = %broadcast_in_dim3A_158) -> (vector<16xf32>, vector<16xf32>, vector<16xf32>, vector<16xf32>, vector<16xf32>, vector<16xf32>, vector<16xf32>, vector<16xf32>)  : i32 {
        %mul3A_291 = arith.constant 16 : i32
        %mul3A_292 = arith.muli %scan3A_282, %mul3A_291 : i32
        %get3A_293 = arith.index_cast %rem3A_92 : i32 to index
        %get3A_294 = arith.index_cast %mul3A_292 : i32 to index
        %get3A_295 = tpu.vector_load %arg9[%get3A_293, %get3A_294] {strides = array<i32>} : memref<2x256xf32, #tpu.memory_space<vmem>>, vector<1x16xf32>,
        %get3A_296 = vector.shape_cast %get3A_295 : vector<1x16xf32> to vector<16xf32>
        %mul3A_297 = arith.constant 2 : i32
        %mul3A_298 = arith.muli %scan3A_282, %mul3A_297 : i32
        %add3A_299 = arith.constant 0 : i32
        %add3A_300 = arith.addi %mul3A_298, %add3A_299 : i32
        %broadcast_in_dim3A_301 = arith.constant 0.000000e+00 : f32
        %broadcast_in_dim3A_302 = vector.broadcast %broadcast_in_dim3A_301 : f32 to vector<16xf32>
        %mul3A_303 = arith.constant 8 : i32
        %mul3A_304 = arith.muli %add3A_300, %mul3A_303 : i32
        %add3A_305 = arith.constant 0 : i32
        %add3A_306 = arith.addi %mul3A_304, %add3A_305 : i32
        %slice3A = vector.extract_strided_slice %get3A_296 {offsets = [0], sizes = [1], strides = [1]} : vector<16xf32> to vector<1xf32>
        %squeeze3A = vector.extract %slice3A[0] : f32 from vector<1xf32>
        %add3A_307 = arith.constant 0.000000e+00 : f32
        %add3A_308 = arith.addf %add3A_307, %squeeze3A : f32
        %broadcast_in_dim3A_309 = vector.broadcast %squeeze3A : f32 to vector<16xf32>
        %get3A_310 = arith.index_cast %rem3A_92 : i32 to index
        %get3A_311 = arith.index_cast %add3A_306 : i32 to index
        %get3A_312 = arith.constant 0 : index
        %get3A_313 = tpu.vector_load %arg8[%get3A_310, %get3A_311, %get3A_312] {strides = array<i32>} : memref<2x256x128xf32, #tpu.memory_space<vmem>>, vector<1x1x16xf32>,
        %get3A_314 = vector.shape_cast %get3A_313 : vector<1x1x16xf32> to vector<16xf32>
        %mul3A_315 = arith.mulf %broadcast_in_dim3A_309, %get3A_314 : vector<16xf32>
        %add3A_316 = arith.addf %broadcast_in_dim3A_302, %mul3A_315 : vector<16xf32>
        %get3A_317 = arith.index_cast %rem3A_92 : i32 to index
        %get3A_318 = arith.index_cast %add3A_306 : i32 to index
        %get3A_319 = arith.constant 16 : index
        %get3A_320 = tpu.vector_load %arg8[%get3A_317, %get3A_318, %get3A_319] {strides = array<i32>} : memref<2x256x128xf32, #tpu.memory_space<vmem>>, vector<1x1x16xf32>,
        %get3A_321 = vector.shape_cast %get3A_320 : vector<1x1x16xf32> to vector<16xf32>
        %mul3A_322 = arith.mulf %broadcast_in_dim3A_309, %get3A_321 : vector<16xf32>
        %add3A_323 = arith.addf %broadcast_in_dim3A_302, %mul3A_322 : vector<16xf32>
        %get3A_324 = arith.index_cast %rem3A_92 : i32 to index
        %get3A_325 = arith.index_cast %add3A_306 : i32 to index
        %get3A_326 = arith.constant 32 : index
        %get3A_327 = tpu.vector_load %arg8[%get3A_324, %get3A_325, %get3A_326] {strides = array<i32>} : memref<2x256x128xf32, #tpu.memory_space<vmem>>, vector<1x1x16xf32>,
        %get3A_328 = vector.shape_cast %get3A_327 : vector<1x1x16xf32> to vector<16xf32>
        %mul3A_329 = arith.mulf %broadcast_in_dim3A_309, %get3A_328 : vector<16xf32>
        %add3A_330 = arith.addf %broadcast_in_dim3A_302, %mul3A_329 : vector<16xf32>
        %get3A_331 = arith.index_cast %rem3A_92 : i32 to index
        %get3A_332 = arith.index_cast %add3A_306 : i32 to index
        %get3A_333 = arith.constant 48 : index
        %get3A_334 = tpu.vector_load %arg8[%get3A_331, %get3A_332, %get3A_333] {strides = array<i32>} : memref<2x256x128xf32, #tpu.memory_space<vmem>>, vector<1x1x16xf32>,
        %get3A_335 = vector.shape_cast %get3A_334 : vector<1x1x16xf32> to vector<16xf32>
        %mul3A_336 = arith.mulf %broadcast_in_dim3A_309, %get3A_335 : vector<16xf32>
        %add3A_337 = arith.addf %broadcast_in_dim3A_302, %mul3A_336 : vector<16xf32>
        %get3A_338 = arith.index_cast %rem3A_92 : i32 to index
        %get3A_339 = arith.index_cast %add3A_306 : i32 to index
        %get3A_340 = arith.constant 64 : index
        %get3A_341 = tpu.vector_load %arg8[%get3A_338, %get3A_339, %get3A_340] {strides = array<i32>} : memref<2x256x128xf32, #tpu.memory_space<vmem>>, vector<1x1x16xf32>,
        %get3A_342 = vector.shape_cast %get3A_341 : vector<1x1x16xf32> to vector<16xf32>
        %mul3A_343 = arith.mulf %broadcast_in_dim3A_309, %get3A_342 : vector<16xf32>
        %add3A_344 = arith.addf %broadcast_in_dim3A_302, %mul3A_343 : vector<16xf32>
        %get3A_345 = arith.index_cast %rem3A_92 : i32 to index
        %get3A_346 = arith.index_cast %add3A_306 : i32 to index
        %get3A_347 = arith.constant 80 : index
        %get3A_348 = tpu.vector_load %arg8[%get3A_345, %get3A_346, %get3A_347] {strides = array<i32>} : memref<2x256x128xf32, #tpu.memory_space<vmem>>, vector<1x1x16xf32>,
        %get3A_349 = vector.shape_cast %get3A_348 : vector<1x1x16xf32> to vector<16xf32>
        %mul3A_350 = arith.mulf %broadcast_in_dim3A_309, %get3A_349 : vector<16xf32>
        %add3A_351 = arith.addf %broadcast_in_dim3A_302, %mul3A_350 : vector<16xf32>
        %get3A_352 = arith.index_cast %rem3A_92 : i32 to index
        %get3A_353 = arith.index_cast %add3A_306 : i32 to index
        %get3A_354 = arith.constant 96 : index
        %get3A_355 = tpu.vector_load %arg8[%get3A_352, %get3A_353, %get3A_354] {strides = array<i32>} : memref<2x256x128xf32, #tpu.memory_space<vmem>>, vector<1x1x16xf32>,
        %get3A_356 = vector.shape_cast %get3A_355 : vector<1x1x16xf32> to vector<16xf32>
        %mul3A_357 = arith.mulf %broadcast_in_dim3A_309, %get3A_356 : vector<16xf32>
        %add3A_358 = arith.addf %broadcast_in_dim3A_302, %mul3A_357 : vector<16xf32>
        %get3A_359 = arith.index_cast %rem3A_92 : i32 to index
        %get3A_360 = arith.index_cast %add3A_306 : i32 to index
        %get3A_361 = arith.constant 112 : index
        %get3A_362 = tpu.vector_load %arg8[%get3A_359, %get3A_360, %get3A_361] {strides = array<i32>} : memref<2x256x128xf32, #tpu.memory_space<vmem>>, vector<1x1x16xf32>,
        %get3A_363 = vector.shape_cast %get3A_362 : vector<1x1x16xf32> to vector<16xf32>
        %mul3A_364 = arith.mulf %broadcast_in_dim3A_309, %get3A_363 : vector<16xf32>
        %add3A_365 = arith.addf %broadcast_in_dim3A_302, %mul3A_364 : vector<16xf32>
        %mul3A_366 = arith.constant 8 : i32
        %mul3A_367 = arith.muli %add3A_300, %mul3A_366 : i32
        %add3A_368 = arith.constant 1 : i32
        %add3A_369 = arith.addi %mul3A_367, %add3A_368 : i32
        %slice3A_370 = vector.extract_strided_slice %get3A_296 {offsets = [1], sizes = [1], strides = [1]} : vector<16xf32> to vector<1xf32>
        %squeeze3A_371 = vector.extract %slice3A_370[0] : f32 from vector<1xf32>
        %add3A_372 = arith.addf %add3A_308, %squeeze3A_371 : f32
        %broadcast_in_dim3A_373 = vector.broadcast %squeeze3A_371 : f32 to vector<16xf32>
        %get3A_374 = arith.index_cast %rem3A_92 : i32 to index
        %get3A_375 = arith.index_cast %add3A_369 : i32 to index
        %get3A_376 = arith.constant 0 : index
        %get3A_377 = tpu.vector_load %arg8[%get3A_374, %get3A_375, %get3A_376] {strides = array<i32>} : memref<2x256x128xf32, #tpu.memory_space<vmem>>, vector<1x1x16xf32>,
        %get3A_378 = vector.shape_cast %get3A_377 : vector<1x1x16xf32> to vector<16xf32>
        %mul3A_379 = arith.mulf %broadcast_in_dim3A_373, %get3A_378 : vector<16xf32>
        %add3A_380 = arith.addf %add3A_316, %mul3A_379 : vector<16xf32>
        %get3A_381 = arith.index_cast %rem3A_92 : i32 to index
        %get3A_382 = arith.index_cast %add3A_369 : i32 to index
        %get3A_383 = arith.constant 16 : index
        %get3A_384 = tpu.vector_load %arg8[%get3A_381, %get3A_382, %get3A_383] {strides = array<i32>} : memref<2x256x128xf32, #tpu.memory_space<vmem>>, vector<1x1x16xf32>,
        %get3A_385 = vector.shape_cast %get3A_384 : vector<1x1x16xf32> to vector<16xf32>
        %mul3A_386 = arith.mulf %broadcast_in_dim3A_373, %get3A_385 : vector<16xf32>
        %add3A_387 = arith.addf %add3A_323, %mul3A_386 : vector<16xf32>
        %get3A_388 = arith.index_cast %rem3A_92 : i32 to index
        %get3A_389 = arith.index_cast %add3A_369 : i32 to index
        %get3A_390 = arith.constant 32 : index
        %get3A_391 = tpu.vector_load %arg8[%get3A_388, %get3A_389, %get3A_390] {strides = array<i32>} : memref<2x256x128xf32, #tpu.memory_space<vmem>>, vector<1x1x16xf32>,
        %get3A_392 = vector.shape_cast %get3A_391 : vector<1x1x16xf32> to vector<16xf32>
        %mul3A_393 = arith.mulf %broadcast_in_dim3A_373, %get3A_392 : vector<16xf32>
        %add3A_394 = arith.addf %add3A_330, %mul3A_393 : vector<16xf32>
        %get3A_395 = arith.index_cast %rem3A_92 : i32 to index
        %get3A_396 = arith.index_cast %add3A_369 : i32 to index
        %get3A_397 = arith.constant 48 : index
        %get3A_398 = tpu.vector_load %arg8[%get3A_395, %get3A_396, %get3A_397] {strides = array<i32>} : memref<2x256x128xf32, #tpu.memory_space<vmem>>, vector<1x1x16xf32>,
        %get3A_399 = vector.shape_cast %get3A_398 : vector<1x1x16xf32> to vector<16xf32>
        %mul3A_400 = arith.mulf %broadcast_in_dim3A_373, %get3A_399 : vector<16xf32>
        %add3A_401 = arith.addf %add3A_337, %mul3A_400 : vector<16xf32>
        %get3A_402 = arith.index_cast %rem3A_92 : i32 to index
        %get3A_403 = arith.index_cast %add3A_369 : i32 to index
        %get3A_404 = arith.constant 64 : index
        %get3A_405 = tpu.vector_load %arg8[%get3A_402, %get3A_403, %get3A_404] {strides = array<i32>} : memref<2x256x128xf32, #tpu.memory_space<vmem>>, vector<1x1x16xf32>,
        %get3A_406 = vector.shape_cast %get3A_405 : vector<1x1x16xf32> to vector<16xf32>
        %mul3A_407 = arith.mulf %broadcast_in_dim3A_373, %get3A_406 : vector<16xf32>
        %add3A_408 = arith.addf %add3A_344, %mul3A_407 : vector<16xf32>
        %get3A_409 = arith.index_cast %rem3A_92 : i32 to index
        %get3A_410 = arith.index_cast %add3A_369 : i32 to index
        %get3A_411 = arith.constant 80 : index
        %get3A_412 = tpu.vector_load %arg8[%get3A_409, %get3A_410, %get3A_411] {strides = array<i32>} : memref<2x256x128xf32, #tpu.memory_space<vmem>>, vector<1x1x16xf32>,
        %get3A_413 = vector.shape_cast %get3A_412 : vector<1x1x16xf32> to vector<16xf32>
        %mul3A_414 = arith.mulf %broadcast_in_dim3A_373, %get3A_413 : vector<16xf32>
        %add3A_415 = arith.addf %add3A_351, %mul3A_414 : vector<16xf32>
        %get3A_416 = arith.index_cast %rem3A_92 : i32 to index
        %get3A_417 = arith.index_cast %add3A_369 : i32 to index
        %get3A_418 = arith.constant 96 : index
        %get3A_419 = tpu.vector_load %arg8[%get3A_416, %get3A_417, %get3A_418] {strides = array<i32>} : memref<2x256x128xf32, #tpu.memory_space<vmem>>, vector<1x1x16xf32>,
        %get3A_420 = vector.shape_cast %get3A_419 : vector<1x1x16xf32> to vector<16xf32>
        %mul3A_421 = arith.mulf %broadcast_in_dim3A_373, %get3A_420 : vector<16xf32>
        %add3A_422 = arith.addf %add3A_358, %mul3A_421 : vector<16xf32>
        %get3A_423 = arith.index_cast %rem3A_92 : i32 to index
        %get3A_424 = arith.index_cast %add3A_369 : i32 to index
        %get3A_425 = arith.constant 112 : index
        %get3A_426 = tpu.vector_load %arg8[%get3A_423, %get3A_424, %get3A_425] {strides = array<i32>} : memref<2x256x128xf32, #tpu.memory_space<vmem>>, vector<1x1x16xf32>,
        %get3A_427 = vector.shape_cast %get3A_426 : vector<1x1x16xf32> to vector<16xf32>
        %mul3A_428 = arith.mulf %broadcast_in_dim3A_373, %get3A_427 : vector<16xf32>
        %add3A_429 = arith.addf %add3A_365, %mul3A_428 : vector<16xf32>
        %mul3A_430 = arith.constant 8 : i32
        %mul3A_431 = arith.muli %add3A_300, %mul3A_430 : i32
        %add3A_432 = arith.constant 2 : i32
        %add3A_433 = arith.addi %mul3A_431, %add3A_432 : i32
        %slice3A_434 = vector.extract_strided_slice %get3A_296 {offsets = [2], sizes = [1], strides = [1]} : vector<16xf32> to vector<1xf32>
        %squeeze3A_435 = vector.extract %slice3A_434[0] : f32 from vector<1xf32>
        %add3A_436 = arith.addf %add3A_372, %squeeze3A_435 : f32
        %broadcast_in_dim3A_437 = vector.broadcast %squeeze3A_435 : f32 to vector<16xf32>
        %get3A_438 = arith.index_cast %rem3A_92 : i32 to index
        %get3A_439 = arith.index_cast %add3A_433 : i32 to index
        %get3A_440 = arith.constant 0 : index
        %get3A_441 = tpu.vector_load %arg8[%get3A_438, %get3A_439, %get3A_440] {strides = array<i32>} : memref<2x256x128xf32, #tpu.memory_space<vmem>>, vector<1x1x16xf32>,
        %get3A_442 = vector.shape_cast %get3A_441 : vector<1x1x16xf32> to vector<16xf32>
        %mul3A_443 = arith.mulf %broadcast_in_dim3A_437, %get3A_442 : vector<16xf32>
        %add3A_444 = arith.addf %add3A_380, %mul3A_443 : vector<16xf32>
        %get3A_445 = arith.index_cast %rem3A_92 : i32 to index
        %get3A_446 = arith.index_cast %add3A_433 : i32 to index
        %get3A_447 = arith.constant 16 : index
        %get3A_448 = tpu.vector_load %arg8[%get3A_445, %get3A_446, %get3A_447] {strides = array<i32>} : memref<2x256x128xf32, #tpu.memory_space<vmem>>, vector<1x1x16xf32>,
        %get3A_449 = vector.shape_cast %get3A_448 : vector<1x1x16xf32> to vector<16xf32>
        %mul3A_450 = arith.mulf %broadcast_in_dim3A_437, %get3A_449 : vector<16xf32>
        %add3A_451 = arith.addf %add3A_387, %mul3A_450 : vector<16xf32>
        %get3A_452 = arith.index_cast %rem3A_92 : i32 to index
        %get3A_453 = arith.index_cast %add3A_433 : i32 to index
        %get3A_454 = arith.constant 32 : index
        %get3A_455 = tpu.vector_load %arg8[%get3A_452, %get3A_453, %get3A_454] {strides = array<i32>} : memref<2x256x128xf32, #tpu.memory_space<vmem>>, vector<1x1x16xf32>,
        %get3A_456 = vector.shape_cast %get3A_455 : vector<1x1x16xf32> to vector<16xf32>
        %mul3A_457 = arith.mulf %broadcast_in_dim3A_437, %get3A_456 : vector<16xf32>
        %add3A_458 = arith.addf %add3A_394, %mul3A_457 : vector<16xf32>
        %get3A_459 = arith.index_cast %rem3A_92 : i32 to index
        %get3A_460 = arith.index_cast %add3A_433 : i32 to index
        %get3A_461 = arith.constant 48 : index
        %get3A_462 = tpu.vector_load %arg8[%get3A_459, %get3A_460, %get3A_461] {strides = array<i32>} : memref<2x256x128xf32, #tpu.memory_space<vmem>>, vector<1x1x16xf32>,
        %get3A_463 = vector.shape_cast %get3A_462 : vector<1x1x16xf32> to vector<16xf32>
        %mul3A_464 = arith.mulf %broadcast_in_dim3A_437, %get3A_463 : vector<16xf32>
        %add3A_465 = arith.addf %add3A_401, %mul3A_464 : vector<16xf32>
        %get3A_466 = arith.index_cast %rem3A_92 : i32 to index
        %get3A_467 = arith.index_cast %add3A_433 : i32 to index
        %get3A_468 = arith.constant 64 : index
        %get3A_469 = tpu.vector_load %arg8[%get3A_466, %get3A_467, %get3A_468] {strides = array<i32>} : memref<2x256x128xf32, #tpu.memory_space<vmem>>, vector<1x1x16xf32>,
        %get3A_470 = vector.shape_cast %get3A_469 : vector<1x1x16xf32> to vector<16xf32>
        %mul3A_471 = arith.mulf %broadcast_in_dim3A_437, %get3A_470 : vector<16xf32>
        %add3A_472 = arith.addf %add3A_408, %mul3A_471 : vector<16xf32>
        %get3A_473 = arith.index_cast %rem3A_92 : i32 to index
        %get3A_474 = arith.index_cast %add3A_433 : i32 to index
        %get3A_475 = arith.constant 80 : index
        %get3A_476 = tpu.vector_load %arg8[%get3A_473, %get3A_474, %get3A_475] {strides = array<i32>} : memref<2x256x128xf32, #tpu.memory_space<vmem>>, vector<1x1x16xf32>,
        %get3A_477 = vector.shape_cast %get3A_476 : vector<1x1x16xf32> to vector<16xf32>
        %mul3A_478 = arith.mulf %broadcast_in_dim3A_437, %get3A_477 : vector<16xf32>
        %add3A_479 = arith.addf %add3A_415, %mul3A_478 : vector<16xf32>
        %get3A_480 = arith.index_cast %rem3A_92 : i32 to index
        %get3A_481 = arith.index_cast %add3A_433 : i32 to index
        %get3A_482 = arith.constant 96 : index
        %get3A_483 = tpu.vector_load %arg8[%get3A_480, %get3A_481, %get3A_482] {strides = array<i32>} : memref<2x256x128xf32, #tpu.memory_space<vmem>>, vector<1x1x16xf32>,
        %get3A_484 = vector.shape_cast %get3A_483 : vector<1x1x16xf32> to vector<16xf32>
        %mul3A_485 = arith.mulf %broadcast_in_dim3A_437, %get3A_484 : vector<16xf32>
        %add3A_486 = arith.addf %add3A_422, %mul3A_485 : vector<16xf32>
        %get3A_487 = arith.index_cast %rem3A_92 : i32 to index
        %get3A_488 = arith.index_cast %add3A_433 : i32 to index
        %get3A_489 = arith.constant 112 : index
        %get3A_490 = tpu.vector_load %arg8[%get3A_487, %get3A_488, %get3A_489] {strides = array<i32>} : memref<2x256x128xf32, #tpu.memory_space<vmem>>, vector<1x1x16xf32>,
        %get3A_491 = vector.shape_cast %get3A_490 : vector<1x1x16xf32> to vector<16xf32>
        %mul3A_492 = arith.mulf %broadcast_in_dim3A_437, %get3A_491 : vector<16xf32>
        %add3A_493 = arith.addf %add3A_429, %mul3A_492 : vector<16xf32>
        %mul3A_494 = arith.constant 8 : i32
        %mul3A_495 = arith.muli %add3A_300, %mul3A_494 : i32
        %add3A_496 = arith.constant 3 : i32
        %add3A_497 = arith.addi %mul3A_495, %add3A_496 : i32
        %slice3A_498 = vector.extract_strided_slice %get3A_296 {offsets = [3], sizes = [1], strides = [1]} : vector<16xf32> to vector<1xf32>
        %squeeze3A_499 = vector.extract %slice3A_498[0] : f32 from vector<1xf32>
        %add3A_500 = arith.addf %add3A_436, %squeeze3A_499 : f32
        %broadcast_in_dim3A_501 = vector.broadcast %squeeze3A_499 : f32 to vector<16xf32>
        %get3A_502 = arith.index_cast %rem3A_92 : i32 to index
        %get3A_503 = arith.index_cast %add3A_497 : i32 to index
        %get3A_504 = arith.constant 0 : index
        %get3A_505 = tpu.vector_load %arg8[%get3A_502, %get3A_503, %get3A_504] {strides = array<i32>} : memref<2x256x128xf32, #tpu.memory_space<vmem>>, vector<1x1x16xf32>,
        %get3A_506 = vector.shape_cast %get3A_505 : vector<1x1x16xf32> to vector<16xf32>
        %mul3A_507 = arith.mulf %broadcast_in_dim3A_501, %get3A_506 : vector<16xf32>
        %add3A_508 = arith.addf %add3A_444, %mul3A_507 : vector<16xf32>
        %get3A_509 = arith.index_cast %rem3A_92 : i32 to index
        %get3A_510 = arith.index_cast %add3A_497 : i32 to index
        %get3A_511 = arith.constant 16 : index
        %get3A_512 = tpu.vector_load %arg8[%get3A_509, %get3A_510, %get3A_511] {strides = array<i32>} : memref<2x256x128xf32, #tpu.memory_space<vmem>>, vector<1x1x16xf32>,
        %get3A_513 = vector.shape_cast %get3A_512 : vector<1x1x16xf32> to vector<16xf32>
        %mul3A_514 = arith.mulf %broadcast_in_dim3A_501, %get3A_513 : vector<16xf32>
        %add3A_515 = arith.addf %add3A_451, %mul3A_514 : vector<16xf32>
        %get3A_516 = arith.index_cast %rem3A_92 : i32 to index
        %get3A_517 = arith.index_cast %add3A_497 : i32 to index
        %get3A_518 = arith.constant 32 : index
        %get3A_519 = tpu.vector_load %arg8[%get3A_516, %get3A_517, %get3A_518] {strides = array<i32>} : memref<2x256x128xf32, #tpu.memory_space<vmem>>, vector<1x1x16xf32>,
        %get3A_520 = vector.shape_cast %get3A_519 : vector<1x1x16xf32> to vector<16xf32>
        %mul3A_521 = arith.mulf %broadcast_in_dim3A_501, %get3A_520 : vector<16xf32>
        %add3A_522 = arith.addf %add3A_458, %mul3A_521 : vector<16xf32>
        %get3A_523 = arith.index_cast %rem3A_92 : i32 to index
        %get3A_524 = arith.index_cast %add3A_497 : i32 to index
        %get3A_525 = arith.constant 48 : index
        %get3A_526 = tpu.vector_load %arg8[%get3A_523, %get3A_524, %get3A_525] {strides = array<i32>} : memref<2x256x128xf32, #tpu.memory_space<vmem>>, vector<1x1x16xf32>,
        %get3A_527 = vector.shape_cast %get3A_526 : vector<1x1x16xf32> to vector<16xf32>
        %mul3A_528 = arith.mulf %broadcast_in_dim3A_501, %get3A_527 : vector<16xf32>
        %add3A_529 = arith.addf %add3A_465, %mul3A_528 : vector<16xf32>
        %get3A_530 = arith.index_cast %rem3A_92 : i32 to index
        %get3A_531 = arith.index_cast %add3A_497 : i32 to index
        %get3A_532 = arith.constant 64 : index
        %get3A_533 = tpu.vector_load %arg8[%get3A_530, %get3A_531, %get3A_532] {strides = array<i32>} : memref<2x256x128xf32, #tpu.memory_space<vmem>>, vector<1x1x16xf32>,
        %get3A_534 = vector.shape_cast %get3A_533 : vector<1x1x16xf32> to vector<16xf32>
        %mul3A_535 = arith.mulf %broadcast_in_dim3A_501, %get3A_534 : vector<16xf32>
        %add3A_536 = arith.addf %add3A_472, %mul3A_535 : vector<16xf32>
        %get3A_537 = arith.index_cast %rem3A_92 : i32 to index
        %get3A_538 = arith.index_cast %add3A_497 : i32 to index
        %get3A_539 = arith.constant 80 : index
        %get3A_540 = tpu.vector_load %arg8[%get3A_537, %get3A_538, %get3A_539] {strides = array<i32>} : memref<2x256x128xf32, #tpu.memory_space<vmem>>, vector<1x1x16xf32>,
        %get3A_541 = vector.shape_cast %get3A_540 : vector<1x1x16xf32> to vector<16xf32>
        %mul3A_542 = arith.mulf %broadcast_in_dim3A_501, %get3A_541 : vector<16xf32>
        %add3A_543 = arith.addf %add3A_479, %mul3A_542 : vector<16xf32>
        %get3A_544 = arith.index_cast %rem3A_92 : i32 to index
        %get3A_545 = arith.index_cast %add3A_497 : i32 to index
        %get3A_546 = arith.constant 96 : index
        %get3A_547 = tpu.vector_load %arg8[%get3A_544, %get3A_545, %get3A_546] {strides = array<i32>} : memref<2x256x128xf32, #tpu.memory_space<vmem>>, vector<1x1x16xf32>,
        %get3A_548 = vector.shape_cast %get3A_547 : vector<1x1x16xf32> to vector<16xf32>
        %mul3A_549 = arith.mulf %broadcast_in_dim3A_501, %get3A_548 : vector<16xf32>
        %add3A_550 = arith.addf %add3A_486, %mul3A_549 : vector<16xf32>
        %get3A_551 = arith.index_cast %rem3A_92 : i32 to index
        %get3A_552 = arith.index_cast %add3A_497 : i32 to index
        %get3A_553 = arith.constant 112 : index
        %get3A_554 = tpu.vector_load %arg8[%get3A_551, %get3A_552, %get3A_553] {strides = array<i32>} : memref<2x256x128xf32, #tpu.memory_space<vmem>>, vector<1x1x16xf32>,
        %get3A_555 = vector.shape_cast %get3A_554 : vector<1x1x16xf32> to vector<16xf32>
        %mul3A_556 = arith.mulf %broadcast_in_dim3A_501, %get3A_555 : vector<16xf32>
        %add3A_557 = arith.addf %add3A_493, %mul3A_556 : vector<16xf32>
        %mul3A_558 = arith.constant 8 : i32
        %mul3A_559 = arith.muli %add3A_300, %mul3A_558 : i32
        %add3A_560 = arith.constant 4 : i32
        %add3A_561 = arith.addi %mul3A_559, %add3A_560 : i32
        %slice3A_562 = vector.extract_strided_slice %get3A_296 {offsets = [4], sizes = [1], strides = [1]} : vector<16xf32> to vector<1xf32>
        %squeeze3A_563 = vector.extract %slice3A_562[0] : f32 from vector<1xf32>
        %add3A_564 = arith.addf %add3A_500, %squeeze3A_563 : f32
        %broadcast_in_dim3A_565 = vector.broadcast %squeeze3A_563 : f32 to vector<16xf32>
        %get3A_566 = arith.index_cast %rem3A_92 : i32 to index
        %get3A_567 = arith.index_cast %add3A_561 : i32 to index
        %get3A_568 = arith.constant 0 : index
        %get3A_569 = tpu.vector_load %arg8[%get3A_566, %get3A_567, %get3A_568] {strides = array<i32>} : memref<2x256x128xf32, #tpu.memory_space<vmem>>, vector<1x1x16xf32>,
        %get3A_570 = vector.shape_cast %get3A_569 : vector<1x1x16xf32> to vector<16xf32>
        %mul3A_571 = arith.mulf %broadcast_in_dim3A_565, %get3A_570 : vector<16xf32>
        %add3A_572 = arith.addf %add3A_508, %mul3A_571 : vector<16xf32>
        %get3A_573 = arith.index_cast %rem3A_92 : i32 to index
        %get3A_574 = arith.index_cast %add3A_561 : i32 to index
        %get3A_575 = arith.constant 16 : index
        %get3A_576 = tpu.vector_load %arg8[%get3A_573, %get3A_574, %get3A_575] {strides = array<i32>} : memref<2x256x128xf32, #tpu.memory_space<vmem>>, vector<1x1x16xf32>,
        %get3A_577 = vector.shape_cast %get3A_576 : vector<1x1x16xf32> to vector<16xf32>
        %mul3A_578 = arith.mulf %broadcast_in_dim3A_565, %get3A_577 : vector<16xf32>
        %add3A_579 = arith.addf %add3A_515, %mul3A_578 : vector<16xf32>
        %get3A_580 = arith.index_cast %rem3A_92 : i32 to index
        %get3A_581 = arith.index_cast %add3A_561 : i32 to index
        %get3A_582 = arith.constant 32 : index
        %get3A_583 = tpu.vector_load %arg8[%get3A_580, %get3A_581, %get3A_582] {strides = array<i32>} : memref<2x256x128xf32, #tpu.memory_space<vmem>>, vector<1x1x16xf32>,
        %get3A_584 = vector.shape_cast %get3A_583 : vector<1x1x16xf32> to vector<16xf32>
        %mul3A_585 = arith.mulf %broadcast_in_dim3A_565, %get3A_584 : vector<16xf32>
        %add3A_586 = arith.addf %add3A_522, %mul3A_585 : vector<16xf32>
        %get3A_587 = arith.index_cast %rem3A_92 : i32 to index
        %get3A_588 = arith.index_cast %add3A_561 : i32 to index
        %get3A_589 = arith.constant 48 : index
        %get3A_590 = tpu.vector_load %arg8[%get3A_587, %get3A_588, %get3A_589] {strides = array<i32>} : memref<2x256x128xf32, #tpu.memory_space<vmem>>, vector<1x1x16xf32>,
        %get3A_591 = vector.shape_cast %get3A_590 : vector<1x1x16xf32> to vector<16xf32>
        %mul3A_592 = arith.mulf %broadcast_in_dim3A_565, %get3A_591 : vector<16xf32>
        %add3A_593 = arith.addf %add3A_529, %mul3A_592 : vector<16xf32>
        %get3A_594 = arith.index_cast %rem3A_92 : i32 to index
        %get3A_595 = arith.index_cast %add3A_561 : i32 to index
        %get3A_596 = arith.constant 64 : index
        %get3A_597 = tpu.vector_load %arg8[%get3A_594, %get3A_595, %get3A_596] {strides = array<i32>} : memref<2x256x128xf32, #tpu.memory_space<vmem>>, vector<1x1x16xf32>,
        %get3A_598 = vector.shape_cast %get3A_597 : vector<1x1x16xf32> to vector<16xf32>
        %mul3A_599 = arith.mulf %broadcast_in_dim3A_565, %get3A_598 : vector<16xf32>
        %add3A_600 = arith.addf %add3A_536, %mul3A_599 : vector<16xf32>
        %get3A_601 = arith.index_cast %rem3A_92 : i32 to index
        %get3A_602 = arith.index_cast %add3A_561 : i32 to index
        %get3A_603 = arith.constant 80 : index
        %get3A_604 = tpu.vector_load %arg8[%get3A_601, %get3A_602, %get3A_603] {strides = array<i32>} : memref<2x256x128xf32, #tpu.memory_space<vmem>>, vector<1x1x16xf32>,
        %get3A_605 = vector.shape_cast %get3A_604 : vector<1x1x16xf32> to vector<16xf32>
        %mul3A_606 = arith.mulf %broadcast_in_dim3A_565, %get3A_605 : vector<16xf32>
        %add3A_607 = arith.addf %add3A_543, %mul3A_606 : vector<16xf32>
        %get3A_608 = arith.index_cast %rem3A_92 : i32 to index
        %get3A_609 = arith.index_cast %add3A_561 : i32 to index
        %get3A_610 = arith.constant 96 : index
        %get3A_611 = tpu.vector_load %arg8[%get3A_608, %get3A_609, %get3A_610] {strides = array<i32>} : memref<2x256x128xf32, #tpu.memory_space<vmem>>, vector<1x1x16xf32>,
        %get3A_612 = vector.shape_cast %get3A_611 : vector<1x1x16xf32> to vector<16xf32>
        %mul3A_613 = arith.mulf %broadcast_in_dim3A_565, %get3A_612 : vector<16xf32>
        %add3A_614 = arith.addf %add3A_550, %mul3A_613 : vector<16xf32>
        %get3A_615 = arith.index_cast %rem3A_92 : i32 to index
        %get3A_616 = arith.index_cast %add3A_561 : i32 to index
        %get3A_617 = arith.constant 112 : index
        %get3A_618 = tpu.vector_load %arg8[%get3A_615, %get3A_616, %get3A_617] {strides = array<i32>} : memref<2x256x128xf32, #tpu.memory_space<vmem>>, vector<1x1x16xf32>,
        %get3A_619 = vector.shape_cast %get3A_618 : vector<1x1x16xf32> to vector<16xf32>
        %mul3A_620 = arith.mulf %broadcast_in_dim3A_565, %get3A_619 : vector<16xf32>
        %add3A_621 = arith.addf %add3A_557, %mul3A_620 : vector<16xf32>
        %mul3A_622 = arith.constant 8 : i32
        %mul3A_623 = arith.muli %add3A_300, %mul3A_622 : i32
        %add3A_624 = arith.constant 5 : i32
        %add3A_625 = arith.addi %mul3A_623, %add3A_624 : i32
        %slice3A_626 = vector.extract_strided_slice %get3A_296 {offsets = [5], sizes = [1], strides = [1]} : vector<16xf32> to vector<1xf32>
        %squeeze3A_627 = vector.extract %slice3A_626[0] : f32 from vector<1xf32>
        %add3A_628 = arith.addf %add3A_564, %squeeze3A_627 : f32
        %broadcast_in_dim3A_629 = vector.broadcast %squeeze3A_627 : f32 to vector<16xf32>
        %get3A_630 = arith.index_cast %rem3A_92 : i32 to index
        %get3A_631 = arith.index_cast %add3A_625 : i32 to index
        %get3A_632 = arith.constant 0 : index
        %get3A_633 = tpu.vector_load %arg8[%get3A_630, %get3A_631, %get3A_632] {strides = array<i32>} : memref<2x256x128xf32, #tpu.memory_space<vmem>>, vector<1x1x16xf32>,
        %get3A_634 = vector.shape_cast %get3A_633 : vector<1x1x16xf32> to vector<16xf32>
        %mul3A_635 = arith.mulf %broadcast_in_dim3A_629, %get3A_634 : vector<16xf32>
        %add3A_636 = arith.addf %add3A_572, %mul3A_635 : vector<16xf32>
        %get3A_637 = arith.index_cast %rem3A_92 : i32 to index
        %get3A_638 = arith.index_cast %add3A_625 : i32 to index
        %get3A_639 = arith.constant 16 : index
        %get3A_640 = tpu.vector_load %arg8[%get3A_637, %get3A_638, %get3A_639] {strides = array<i32>} : memref<2x256x128xf32, #tpu.memory_space<vmem>>, vector<1x1x16xf32>,
        %get3A_641 = vector.shape_cast %get3A_640 : vector<1x1x16xf32> to vector<16xf32>
        %mul3A_642 = arith.mulf %broadcast_in_dim3A_629, %get3A_641 : vector<16xf32>
        %add3A_643 = arith.addf %add3A_579, %mul3A_642 : vector<16xf32>
        %get3A_644 = arith.index_cast %rem3A_92 : i32 to index
        %get3A_645 = arith.index_cast %add3A_625 : i32 to index
        %get3A_646 = arith.constant 32 : index
        %get3A_647 = tpu.vector_load %arg8[%get3A_644, %get3A_645, %get3A_646] {strides = array<i32>} : memref<2x256x128xf32, #tpu.memory_space<vmem>>, vector<1x1x16xf32>,
        %get3A_648 = vector.shape_cast %get3A_647 : vector<1x1x16xf32> to vector<16xf32>
        %mul3A_649 = arith.mulf %broadcast_in_dim3A_629, %get3A_648 : vector<16xf32>
        %add3A_650 = arith.addf %add3A_586, %mul3A_649 : vector<16xf32>
        %get3A_651 = arith.index_cast %rem3A_92 : i32 to index
        %get3A_652 = arith.index_cast %add3A_625 : i32 to index
        %get3A_653 = arith.constant 48 : index
        %get3A_654 = tpu.vector_load %arg8[%get3A_651, %get3A_652, %get3A_653] {strides = array<i32>} : memref<2x256x128xf32, #tpu.memory_space<vmem>>, vector<1x1x16xf32>,
        %get3A_655 = vector.shape_cast %get3A_654 : vector<1x1x16xf32> to vector<16xf32>
        %mul3A_656 = arith.mulf %broadcast_in_dim3A_629, %get3A_655 : vector<16xf32>
        %add3A_657 = arith.addf %add3A_593, %mul3A_656 : vector<16xf32>
        %get3A_658 = arith.index_cast %rem3A_92 : i32 to index
        %get3A_659 = arith.index_cast %add3A_625 : i32 to index
        %get3A_660 = arith.constant 64 : index
        %get3A_661 = tpu.vector_load %arg8[%get3A_658, %get3A_659, %get3A_660] {strides = array<i32>} : memref<2x256x128xf32, #tpu.memory_space<vmem>>, vector<1x1x16xf32>,
        %get3A_662 = vector.shape_cast %get3A_661 : vector<1x1x16xf32> to vector<16xf32>
        %mul3A_663 = arith.mulf %broadcast_in_dim3A_629, %get3A_662 : vector<16xf32>
        %add3A_664 = arith.addf %add3A_600, %mul3A_663 : vector<16xf32>
        %get3A_665 = arith.index_cast %rem3A_92 : i32 to index
        %get3A_666 = arith.index_cast %add3A_625 : i32 to index
        %get3A_667 = arith.constant 80 : index
        %get3A_668 = tpu.vector_load %arg8[%get3A_665, %get3A_666, %get3A_667] {strides = array<i32>} : memref<2x256x128xf32, #tpu.memory_space<vmem>>, vector<1x1x16xf32>,
        %get3A_669 = vector.shape_cast %get3A_668 : vector<1x1x16xf32> to vector<16xf32>
        %mul3A_670 = arith.mulf %broadcast_in_dim3A_629, %get3A_669 : vector<16xf32>
        %add3A_671 = arith.addf %add3A_607, %mul3A_670 : vector<16xf32>
        %get3A_672 = arith.index_cast %rem3A_92 : i32 to index
        %get3A_673 = arith.index_cast %add3A_625 : i32 to index
        %get3A_674 = arith.constant 96 : index
        %get3A_675 = tpu.vector_load %arg8[%get3A_672, %get3A_673, %get3A_674] {strides = array<i32>} : memref<2x256x128xf32, #tpu.memory_space<vmem>>, vector<1x1x16xf32>,
        %get3A_676 = vector.shape_cast %get3A_675 : vector<1x1x16xf32> to vector<16xf32>
        %mul3A_677 = arith.mulf %broadcast_in_dim3A_629, %get3A_676 : vector<16xf32>
        %add3A_678 = arith.addf %add3A_614, %mul3A_677 : vector<16xf32>
        %get3A_679 = arith.index_cast %rem3A_92 : i32 to index
        %get3A_680 = arith.index_cast %add3A_625 : i32 to index
        %get3A_681 = arith.constant 112 : index
        %get3A_682 = tpu.vector_load %arg8[%get3A_679, %get3A_680, %get3A_681] {strides = array<i32>} : memref<2x256x128xf32, #tpu.memory_space<vmem>>, vector<1x1x16xf32>,
        %get3A_683 = vector.shape_cast %get3A_682 : vector<1x1x16xf32> to vector<16xf32>
        %mul3A_684 = arith.mulf %broadcast_in_dim3A_629, %get3A_683 : vector<16xf32>
        %add3A_685 = arith.addf %add3A_621, %mul3A_684 : vector<16xf32>
        %mul3A_686 = arith.constant 8 : i32
        %mul3A_687 = arith.muli %add3A_300, %mul3A_686 : i32
        %add3A_688 = arith.constant 6 : i32
        %add3A_689 = arith.addi %mul3A_687, %add3A_688 : i32
        %slice3A_690 = vector.extract_strided_slice %get3A_296 {offsets = [6], sizes = [1], strides = [1]} : vector<16xf32> to vector<1xf32>
        %squeeze3A_691 = vector.extract %slice3A_690[0] : f32 from vector<1xf32>
        %add3A_692 = arith.addf %add3A_628, %squeeze3A_691 : f32
        %broadcast_in_dim3A_693 = vector.broadcast %squeeze3A_691 : f32 to vector<16xf32>
        %get3A_694 = arith.index_cast %rem3A_92 : i32 to index
        %get3A_695 = arith.index_cast %add3A_689 : i32 to index
        %get3A_696 = arith.constant 0 : index
        %get3A_697 = tpu.vector_load %arg8[%get3A_694, %get3A_695, %get3A_696] {strides = array<i32>} : memref<2x256x128xf32, #tpu.memory_space<vmem>>, vector<1x1x16xf32>,
        %get3A_698 = vector.shape_cast %get3A_697 : vector<1x1x16xf32> to vector<16xf32>
        %mul3A_699 = arith.mulf %broadcast_in_dim3A_693, %get3A_698 : vector<16xf32>
        %add3A_700 = arith.addf %add3A_636, %mul3A_699 : vector<16xf32>
        %get3A_701 = arith.index_cast %rem3A_92 : i32 to index
        %get3A_702 = arith.index_cast %add3A_689 : i32 to index
        %get3A_703 = arith.constant 16 : index
        %get3A_704 = tpu.vector_load %arg8[%get3A_701, %get3A_702, %get3A_703] {strides = array<i32>} : memref<2x256x128xf32, #tpu.memory_space<vmem>>, vector<1x1x16xf32>,
        %get3A_705 = vector.shape_cast %get3A_704 : vector<1x1x16xf32> to vector<16xf32>
        %mul3A_706 = arith.mulf %broadcast_in_dim3A_693, %get3A_705 : vector<16xf32>
        %add3A_707 = arith.addf %add3A_643, %mul3A_706 : vector<16xf32>
        %get3A_708 = arith.index_cast %rem3A_92 : i32 to index
        %get3A_709 = arith.index_cast %add3A_689 : i32 to index
        %get3A_710 = arith.constant 32 : index
        %get3A_711 = tpu.vector_load %arg8[%get3A_708, %get3A_709, %get3A_710] {strides = array<i32>} : memref<2x256x128xf32, #tpu.memory_space<vmem>>, vector<1x1x16xf32>,
        %get3A_712 = vector.shape_cast %get3A_711 : vector<1x1x16xf32> to vector<16xf32>
        %mul3A_713 = arith.mulf %broadcast_in_dim3A_693, %get3A_712 : vector<16xf32>
        %add3A_714 = arith.addf %add3A_650, %mul3A_713 : vector<16xf32>
        %get3A_715 = arith.index_cast %rem3A_92 : i32 to index
        %get3A_716 = arith.index_cast %add3A_689 : i32 to index
        %get3A_717 = arith.constant 48 : index
        %get3A_718 = tpu.vector_load %arg8[%get3A_715, %get3A_716, %get3A_717] {strides = array<i32>} : memref<2x256x128xf32, #tpu.memory_space<vmem>>, vector<1x1x16xf32>,
        %get3A_719 = vector.shape_cast %get3A_718 : vector<1x1x16xf32> to vector<16xf32>
        %mul3A_720 = arith.mulf %broadcast_in_dim3A_693, %get3A_719 : vector<16xf32>
        %add3A_721 = arith.addf %add3A_657, %mul3A_720 : vector<16xf32>
        %get3A_722 = arith.index_cast %rem3A_92 : i32 to index
        %get3A_723 = arith.index_cast %add3A_689 : i32 to index
        %get3A_724 = arith.constant 64 : index
        %get3A_725 = tpu.vector_load %arg8[%get3A_722, %get3A_723, %get3A_724] {strides = array<i32>} : memref<2x256x128xf32, #tpu.memory_space<vmem>>, vector<1x1x16xf32>,
        %get3A_726 = vector.shape_cast %get3A_725 : vector<1x1x16xf32> to vector<16xf32>
        %mul3A_727 = arith.mulf %broadcast_in_dim3A_693, %get3A_726 : vector<16xf32>
        %add3A_728 = arith.addf %add3A_664, %mul3A_727 : vector<16xf32>
        %get3A_729 = arith.index_cast %rem3A_92 : i32 to index
        %get3A_730 = arith.index_cast %add3A_689 : i32 to index
        %get3A_731 = arith.constant 80 : index
        %get3A_732 = tpu.vector_load %arg8[%get3A_729, %get3A_730, %get3A_731] {strides = array<i32>} : memref<2x256x128xf32, #tpu.memory_space<vmem>>, vector<1x1x16xf32>,
        %get3A_733 = vector.shape_cast %get3A_732 : vector<1x1x16xf32> to vector<16xf32>
        %mul3A_734 = arith.mulf %broadcast_in_dim3A_693, %get3A_733 : vector<16xf32>
        %add3A_735 = arith.addf %add3A_671, %mul3A_734 : vector<16xf32>
        %get3A_736 = arith.index_cast %rem3A_92 : i32 to index
        %get3A_737 = arith.index_cast %add3A_689 : i32 to index
        %get3A_738 = arith.constant 96 : index
        %get3A_739 = tpu.vector_load %arg8[%get3A_736, %get3A_737, %get3A_738] {strides = array<i32>} : memref<2x256x128xf32, #tpu.memory_space<vmem>>, vector<1x1x16xf32>,
        %get3A_740 = vector.shape_cast %get3A_739 : vector<1x1x16xf32> to vector<16xf32>
        %mul3A_741 = arith.mulf %broadcast_in_dim3A_693, %get3A_740 : vector<16xf32>
        %add3A_742 = arith.addf %add3A_678, %mul3A_741 : vector<16xf32>
        %get3A_743 = arith.index_cast %rem3A_92 : i32 to index
        %get3A_744 = arith.index_cast %add3A_689 : i32 to index
        %get3A_745 = arith.constant 112 : index
        %get3A_746 = tpu.vector_load %arg8[%get3A_743, %get3A_744, %get3A_745] {strides = array<i32>} : memref<2x256x128xf32, #tpu.memory_space<vmem>>, vector<1x1x16xf32>,
        %get3A_747 = vector.shape_cast %get3A_746 : vector<1x1x16xf32> to vector<16xf32>
        %mul3A_748 = arith.mulf %broadcast_in_dim3A_693, %get3A_747 : vector<16xf32>
        %add3A_749 = arith.addf %add3A_685, %mul3A_748 : vector<16xf32>
        %mul3A_750 = arith.constant 8 : i32
        %mul3A_751 = arith.muli %add3A_300, %mul3A_750 : i32
        %add3A_752 = arith.constant 7 : i32
        %add3A_753 = arith.addi %mul3A_751, %add3A_752 : i32
        %slice3A_754 = vector.extract_strided_slice %get3A_296 {offsets = [7], sizes = [1], strides = [1]} : vector<16xf32> to vector<1xf32>
        %squeeze3A_755 = vector.extract %slice3A_754[0] : f32 from vector<1xf32>
        %add3A_756 = arith.addf %add3A_692, %squeeze3A_755 : f32
        %broadcast_in_dim3A_757 = vector.broadcast %squeeze3A_755 : f32 to vector<16xf32>
        %get3A_758 = arith.index_cast %rem3A_92 : i32 to index
        %get3A_759 = arith.index_cast %add3A_753 : i32 to index
        %get3A_760 = arith.constant 0 : index
        %get3A_761 = tpu.vector_load %arg8[%get3A_758, %get3A_759, %get3A_760] {strides = array<i32>} : memref<2x256x128xf32, #tpu.memory_space<vmem>>, vector<1x1x16xf32>,
        %get3A_762 = vector.shape_cast %get3A_761 : vector<1x1x16xf32> to vector<16xf32>
        %mul3A_763 = arith.mulf %broadcast_in_dim3A_757, %get3A_762 : vector<16xf32>
        %add3A_764 = arith.addf %add3A_700, %mul3A_763 : vector<16xf32>
        %get3A_765 = arith.index_cast %rem3A_92 : i32 to index
        %get3A_766 = arith.index_cast %add3A_753 : i32 to index
        %get3A_767 = arith.constant 16 : index
        %get3A_768 = tpu.vector_load %arg8[%get3A_765, %get3A_766, %get3A_767] {strides = array<i32>} : memref<2x256x128xf32, #tpu.memory_space<vmem>>, vector<1x1x16xf32>,
        %get3A_769 = vector.shape_cast %get3A_768 : vector<1x1x16xf32> to vector<16xf32>
        %mul3A_770 = arith.mulf %broadcast_in_dim3A_757, %get3A_769 : vector<16xf32>
        %add3A_771 = arith.addf %add3A_707, %mul3A_770 : vector<16xf32>
        %get3A_772 = arith.index_cast %rem3A_92 : i32 to index
        %get3A_773 = arith.index_cast %add3A_753 : i32 to index
        %get3A_774 = arith.constant 32 : index
        %get3A_775 = tpu.vector_load %arg8[%get3A_772, %get3A_773, %get3A_774] {strides = array<i32>} : memref<2x256x128xf32, #tpu.memory_space<vmem>>, vector<1x1x16xf32>,
        %get3A_776 = vector.shape_cast %get3A_775 : vector<1x1x16xf32> to vector<16xf32>
        %mul3A_777 = arith.mulf %broadcast_in_dim3A_757, %get3A_776 : vector<16xf32>
        %add3A_778 = arith.addf %add3A_714, %mul3A_777 : vector<16xf32>
        %get3A_779 = arith.index_cast %rem3A_92 : i32 to index
        %get3A_780 = arith.index_cast %add3A_753 : i32 to index
        %get3A_781 = arith.constant 48 : index
        %get3A_782 = tpu.vector_load %arg8[%get3A_779, %get3A_780, %get3A_781] {strides = array<i32>} : memref<2x256x128xf32, #tpu.memory_space<vmem>>, vector<1x1x16xf32>,
        %get3A_783 = vector.shape_cast %get3A_782 : vector<1x1x16xf32> to vector<16xf32>
        %mul3A_784 = arith.mulf %broadcast_in_dim3A_757, %get3A_783 : vector<16xf32>
        %add3A_785 = arith.addf %add3A_721, %mul3A_784 : vector<16xf32>
        %get3A_786 = arith.index_cast %rem3A_92 : i32 to index
        %get3A_787 = arith.index_cast %add3A_753 : i32 to index
        %get3A_788 = arith.constant 64 : index
        %get3A_789 = tpu.vector_load %arg8[%get3A_786, %get3A_787, %get3A_788] {strides = array<i32>} : memref<2x256x128xf32, #tpu.memory_space<vmem>>, vector<1x1x16xf32>,
        %get3A_790 = vector.shape_cast %get3A_789 : vector<1x1x16xf32> to vector<16xf32>
        %mul3A_791 = arith.mulf %broadcast_in_dim3A_757, %get3A_790 : vector<16xf32>
        %add3A_792 = arith.addf %add3A_728, %mul3A_791 : vector<16xf32>
        %get3A_793 = arith.index_cast %rem3A_92 : i32 to index
        %get3A_794 = arith.index_cast %add3A_753 : i32 to index
        %get3A_795 = arith.constant 80 : index
        %get3A_796 = tpu.vector_load %arg8[%get3A_793, %get3A_794, %get3A_795] {strides = array<i32>} : memref<2x256x128xf32, #tpu.memory_space<vmem>>, vector<1x1x16xf32>,
        %get3A_797 = vector.shape_cast %get3A_796 : vector<1x1x16xf32> to vector<16xf32>
        %mul3A_798 = arith.mulf %broadcast_in_dim3A_757, %get3A_797 : vector<16xf32>
        %add3A_799 = arith.addf %add3A_735, %mul3A_798 : vector<16xf32>
        %get3A_800 = arith.index_cast %rem3A_92 : i32 to index
        %get3A_801 = arith.index_cast %add3A_753 : i32 to index
        %get3A_802 = arith.constant 96 : index
        %get3A_803 = tpu.vector_load %arg8[%get3A_800, %get3A_801, %get3A_802] {strides = array<i32>} : memref<2x256x128xf32, #tpu.memory_space<vmem>>, vector<1x1x16xf32>,
        %get3A_804 = vector.shape_cast %get3A_803 : vector<1x1x16xf32> to vector<16xf32>
        %mul3A_805 = arith.mulf %broadcast_in_dim3A_757, %get3A_804 : vector<16xf32>
        %add3A_806 = arith.addf %add3A_742, %mul3A_805 : vector<16xf32>
        %get3A_807 = arith.index_cast %rem3A_92 : i32 to index
        %get3A_808 = arith.index_cast %add3A_753 : i32 to index
        %get3A_809 = arith.constant 112 : index
        %get3A_810 = tpu.vector_load %arg8[%get3A_807, %get3A_808, %get3A_809] {strides = array<i32>} : memref<2x256x128xf32, #tpu.memory_space<vmem>>, vector<1x1x16xf32>,
        %get3A_811 = vector.shape_cast %get3A_810 : vector<1x1x16xf32> to vector<16xf32>
        %mul3A_812 = arith.mulf %broadcast_in_dim3A_757, %get3A_811 : vector<16xf32>
        %add3A_813 = arith.addf %add3A_749, %mul3A_812 : vector<16xf32>
        %broadcast_in_dim3A_814 = arith.constant 5.000000e-01 : f32
        %broadcast_in_dim3A_815 = vector.broadcast %broadcast_in_dim3A_814 : f32 to vector<16xf32>
        %broadcast_in_dim3A_816 = vector.broadcast %add3A_756 : f32 to vector<16xf32>
        %max3A = arith.constant 1.000000e+00 : f32
        %max3A_817 = vector.broadcast %max3A : f32 to vector<16xf32>
        %max3A_818 = arith.maximumf %broadcast_in_dim3A_816, %max3A_817 : vector<16xf32>
        %div3A = arith.divf %broadcast_in_dim3A_815, %max3A_818 : vector<16xf32>
        %get3A_819 = arith.index_cast %rem3A_92 : i32 to index
        %get3A_820 = arith.index_cast %add3A_300 : i32 to index
        %get3A_821 = arith.constant 0 : index
        %get3A_822 = tpu.vector_load %arg10[%get3A_819, %get3A_820, %get3A_821] {strides = array<i32>} : memref<2x32x128xf32, #tpu.memory_space<vmem>>, vector<1x1x16xf32>,
        %get3A_823 = vector.shape_cast %get3A_822 : vector<1x1x16xf32> to vector<16xf32>
        %mul3A_824 = arith.mulf %div3A, %add3A_764 : vector<16xf32>
        %add3A_825 = arith.addf %get3A_823, %mul3A_824 : vector<16xf32>
        %swap3A_826 = arith.index_cast %rem3A_92 : i32 to index
        %swap3A_827 = arith.index_cast %add3A_300 : i32 to index
        %swap3A_828 = arith.constant 0 : index
        %swap3A_829 = tpu.vector_load %arg11[%swap3A_826, %swap3A_827, %swap3A_828] {strides = array<i32>} : memref<2x32x128xf32, #tpu.memory_space<vmem>>, vector<1x1x16xf32>,
        %swap3A_830 = vector.shape_cast %swap3A_829 : vector<1x1x16xf32> to vector<16xf32>
        %swap3A_831 = vector.shape_cast %add3A_825 : vector<16xf32> to vector<1x1x16xf32>
        tpu.vector_store %arg11[%swap3A_826, %swap3A_827, %swap3A_828], %swap3A_831 {strides = array<i32>} : memref<2x32x128xf32, #tpu.memory_space<vmem>>, vector<1x1x16xf32>,
        %add3A_832 = arith.addf %scan3A_283, %add3A_825 : vector<16xf32>
        %get3A_833 = arith.index_cast %rem3A_92 : i32 to index
        %get3A_834 = arith.index_cast %add3A_300 : i32 to index
        %get3A_835 = arith.constant 16 : index
        %get3A_836 = tpu.vector_load %arg10[%get3A_833, %get3A_834, %get3A_835] {strides = array<i32>} : memref<2x32x128xf32, #tpu.memory_space<vmem>>, vector<1x1x16xf32>,
        %get3A_837 = vector.shape_cast %get3A_836 : vector<1x1x16xf32> to vector<16xf32>
        %mul3A_838 = arith.mulf %div3A, %add3A_771 : vector<16xf32>
        %add3A_839 = arith.addf %get3A_837, %mul3A_838 : vector<16xf32>
        %swap3A_840 = arith.index_cast %rem3A_92 : i32 to index
        %swap3A_841 = arith.index_cast %add3A_300 : i32 to index
        %swap3A_842 = arith.constant 16 : index
        %swap3A_843 = tpu.vector_load %arg11[%swap3A_840, %swap3A_841, %swap3A_842] {strides = array<i32>} : memref<2x32x128xf32, #tpu.memory_space<vmem>>, vector<1x1x16xf32>,
        %swap3A_844 = vector.shape_cast %swap3A_843 : vector<1x1x16xf32> to vector<16xf32>
        %swap3A_845 = vector.shape_cast %add3A_839 : vector<16xf32> to vector<1x1x16xf32>
        tpu.vector_store %arg11[%swap3A_840, %swap3A_841, %swap3A_842], %swap3A_845 {strides = array<i32>} : memref<2x32x128xf32, #tpu.memory_space<vmem>>, vector<1x1x16xf32>,
        %add3A_846 = arith.addf %scan3A_284, %add3A_839 : vector<16xf32>
        %get3A_847 = arith.index_cast %rem3A_92 : i32 to index
        %get3A_848 = arith.index_cast %add3A_300 : i32 to index
        %get3A_849 = arith.constant 32 : index
        %get3A_850 = tpu.vector_load %arg10[%get3A_847, %get3A_848, %get3A_849] {strides = array<i32>} : memref<2x32x128xf32, #tpu.memory_space<vmem>>, vector<1x1x16xf32>,
        %get3A_851 = vector.shape_cast %get3A_850 : vector<1x1x16xf32> to vector<16xf32>
        %mul3A_852 = arith.mulf %div3A, %add3A_778 : vector<16xf32>
        %add3A_853 = arith.addf %get3A_851, %mul3A_852 : vector<16xf32>
        %swap3A_854 = arith.index_cast %rem3A_92 : i32 to index
        %swap3A_855 = arith.index_cast %add3A_300 : i32 to index
        %swap3A_856 = arith.constant 32 : index
        %swap3A_857 = tpu.vector_load %arg11[%swap3A_854, %swap3A_855, %swap3A_856] {strides = array<i32>} : memref<2x32x128xf32, #tpu.memory_space<vmem>>, vector<1x1x16xf32>,
        %swap3A_858 = vector.shape_cast %swap3A_857 : vector<1x1x16xf32> to vector<16xf32>
        %swap3A_859 = vector.shape_cast %add3A_853 : vector<16xf32> to vector<1x1x16xf32>
        tpu.vector_store %arg11[%swap3A_854, %swap3A_855, %swap3A_856], %swap3A_859 {strides = array<i32>} : memref<2x32x128xf32, #tpu.memory_space<vmem>>, vector<1x1x16xf32>,
        %add3A_860 = arith.addf %scan3A_285, %add3A_853 : vector<16xf32>
        %get3A_861 = arith.index_cast %rem3A_92 : i32 to index
        %get3A_862 = arith.index_cast %add3A_300 : i32 to index
        %get3A_863 = arith.constant 48 : index
        %get3A_864 = tpu.vector_load %arg10[%get3A_861, %get3A_862, %get3A_863] {strides = array<i32>} : memref<2x32x128xf32, #tpu.memory_space<vmem>>, vector<1x1x16xf32>,
        %get3A_865 = vector.shape_cast %get3A_864 : vector<1x1x16xf32> to vector<16xf32>
        %mul3A_866 = arith.mulf %div3A, %add3A_785 : vector<16xf32>
        %add3A_867 = arith.addf %get3A_865, %mul3A_866 : vector<16xf32>
        %swap3A_868 = arith.index_cast %rem3A_92 : i32 to index
        %swap3A_869 = arith.index_cast %add3A_300 : i32 to index
        %swap3A_870 = arith.constant 48 : index
        %swap3A_871 = tpu.vector_load %arg11[%swap3A_868, %swap3A_869, %swap3A_870] {strides = array<i32>} : memref<2x32x128xf32, #tpu.memory_space<vmem>>, vector<1x1x16xf32>,
        %swap3A_872 = vector.shape_cast %swap3A_871 : vector<1x1x16xf32> to vector<16xf32>
        %swap3A_873 = vector.shape_cast %add3A_867 : vector<16xf32> to vector<1x1x16xf32>
        tpu.vector_store %arg11[%swap3A_868, %swap3A_869, %swap3A_870], %swap3A_873 {strides = array<i32>} : memref<2x32x128xf32, #tpu.memory_space<vmem>>, vector<1x1x16xf32>,
        %add3A_874 = arith.addf %scan3A_286, %add3A_867 : vector<16xf32>
        %get3A_875 = arith.index_cast %rem3A_92 : i32 to index
        %get3A_876 = arith.index_cast %add3A_300 : i32 to index
        %get3A_877 = arith.constant 64 : index
        %get3A_878 = tpu.vector_load %arg10[%get3A_875, %get3A_876, %get3A_877] {strides = array<i32>} : memref<2x32x128xf32, #tpu.memory_space<vmem>>, vector<1x1x16xf32>,
        %get3A_879 = vector.shape_cast %get3A_878 : vector<1x1x16xf32> to vector<16xf32>
        %mul3A_880 = arith.mulf %div3A, %add3A_792 : vector<16xf32>
        %add3A_881 = arith.addf %get3A_879, %mul3A_880 : vector<16xf32>
        %swap3A_882 = arith.index_cast %rem3A_92 : i32 to index
        %swap3A_883 = arith.index_cast %add3A_300 : i32 to index
        %swap3A_884 = arith.constant 64 : index
        %swap3A_885 = tpu.vector_load %arg11[%swap3A_882, %swap3A_883, %swap3A_884] {strides = array<i32>} : memref<2x32x128xf32, #tpu.memory_space<vmem>>, vector<1x1x16xf32>,
        %swap3A_886 = vector.shape_cast %swap3A_885 : vector<1x1x16xf32> to vector<16xf32>
        %swap3A_887 = vector.shape_cast %add3A_881 : vector<16xf32> to vector<1x1x16xf32>
        tpu.vector_store %arg11[%swap3A_882, %swap3A_883, %swap3A_884], %swap3A_887 {strides = array<i32>} : memref<2x32x128xf32, #tpu.memory_space<vmem>>, vector<1x1x16xf32>,
        %add3A_888 = arith.addf %scan3A_287, %add3A_881 : vector<16xf32>
        %get3A_889 = arith.index_cast %rem3A_92 : i32 to index
        %get3A_890 = arith.index_cast %add3A_300 : i32 to index
        %get3A_891 = arith.constant 80 : index
        %get3A_892 = tpu.vector_load %arg10[%get3A_889, %get3A_890, %get3A_891] {strides = array<i32>} : memref<2x32x128xf32, #tpu.memory_space<vmem>>, vector<1x1x16xf32>,
        %get3A_893 = vector.shape_cast %get3A_892 : vector<1x1x16xf32> to vector<16xf32>
        %mul3A_894 = arith.mulf %div3A, %add3A_799 : vector<16xf32>
        %add3A_895 = arith.addf %get3A_893, %mul3A_894 : vector<16xf32>
        %swap3A_896 = arith.index_cast %rem3A_92 : i32 to index
        %swap3A_897 = arith.index_cast %add3A_300 : i32 to index
        %swap3A_898 = arith.constant 80 : index
        %swap3A_899 = tpu.vector_load %arg11[%swap3A_896, %swap3A_897, %swap3A_898] {strides = array<i32>} : memref<2x32x128xf32, #tpu.memory_space<vmem>>, vector<1x1x16xf32>,
        %swap3A_900 = vector.shape_cast %swap3A_899 : vector<1x1x16xf32> to vector<16xf32>
        %swap3A_901 = vector.shape_cast %add3A_895 : vector<16xf32> to vector<1x1x16xf32>
        tpu.vector_store %arg11[%swap3A_896, %swap3A_897, %swap3A_898], %swap3A_901 {strides = array<i32>} : memref<2x32x128xf32, #tpu.memory_space<vmem>>, vector<1x1x16xf32>,
        %add3A_902 = arith.addf %scan3A_288, %add3A_895 : vector<16xf32>
        %get3A_903 = arith.index_cast %rem3A_92 : i32 to index
        %get3A_904 = arith.index_cast %add3A_300 : i32 to index
        %get3A_905 = arith.constant 96 : index
        %get3A_906 = tpu.vector_load %arg10[%get3A_903, %get3A_904, %get3A_905] {strides = array<i32>} : memref<2x32x128xf32, #tpu.memory_space<vmem>>, vector<1x1x16xf32>,
        %get3A_907 = vector.shape_cast %get3A_906 : vector<1x1x16xf32> to vector<16xf32>
        %mul3A_908 = arith.mulf %div3A, %add3A_806 : vector<16xf32>
        %add3A_909 = arith.addf %get3A_907, %mul3A_908 : vector<16xf32>
        %swap3A_910 = arith.index_cast %rem3A_92 : i32 to index
        %swap3A_911 = arith.index_cast %add3A_300 : i32 to index
        %swap3A_912 = arith.constant 96 : index
        %swap3A_913 = tpu.vector_load %arg11[%swap3A_910, %swap3A_911, %swap3A_912] {strides = array<i32>} : memref<2x32x128xf32, #tpu.memory_space<vmem>>, vector<1x1x16xf32>,
        %swap3A_914 = vector.shape_cast %swap3A_913 : vector<1x1x16xf32> to vector<16xf32>
        %swap3A_915 = vector.shape_cast %add3A_909 : vector<16xf32> to vector<1x1x16xf32>
        tpu.vector_store %arg11[%swap3A_910, %swap3A_911, %swap3A_912], %swap3A_915 {strides = array<i32>} : memref<2x32x128xf32, #tpu.memory_space<vmem>>, vector<1x1x16xf32>,
        %add3A_916 = arith.addf %scan3A_289, %add3A_909 : vector<16xf32>
        %get3A_917 = arith.index_cast %rem3A_92 : i32 to index
        %get3A_918 = arith.index_cast %add3A_300 : i32 to index
        %get3A_919 = arith.constant 112 : index
        %get3A_920 = tpu.vector_load %arg10[%get3A_917, %get3A_918, %get3A_919] {strides = array<i32>} : memref<2x32x128xf32, #tpu.memory_space<vmem>>, vector<1x1x16xf32>,
        %get3A_921 = vector.shape_cast %get3A_920 : vector<1x1x16xf32> to vector<16xf32>
        %mul3A_922 = arith.mulf %div3A, %add3A_813 : vector<16xf32>
        %add3A_923 = arith.addf %get3A_921, %mul3A_922 : vector<16xf32>
        %swap3A_924 = arith.index_cast %rem3A_92 : i32 to index
        %swap3A_925 = arith.index_cast %add3A_300 : i32 to index
        %swap3A_926 = arith.constant 112 : index
        %swap3A_927 = tpu.vector_load %arg11[%swap3A_924, %swap3A_925, %swap3A_926] {strides = array<i32>} : memref<2x32x128xf32, #tpu.memory_space<vmem>>, vector<1x1x16xf32>,
        %swap3A_928 = vector.shape_cast %swap3A_927 : vector<1x1x16xf32> to vector<16xf32>
        %swap3A_929 = vector.shape_cast %add3A_923 : vector<16xf32> to vector<1x1x16xf32>
        tpu.vector_store %arg11[%swap3A_924, %swap3A_925, %swap3A_926], %swap3A_929 {strides = array<i32>} : memref<2x32x128xf32, #tpu.memory_space<vmem>>, vector<1x1x16xf32>,
        %add3A_930 = arith.addf %scan3A_290, %add3A_923 : vector<16xf32>
        %mul3A_931 = arith.constant 2 : i32
        %mul3A_932 = arith.muli %scan3A_282, %mul3A_931 : i32
        %add3A_933 = arith.constant 1 : i32
        %add3A_934 = arith.addi %mul3A_932, %add3A_933 : i32
        %broadcast_in_dim3A_935 = arith.constant 0.000000e+00 : f32
        %broadcast_in_dim3A_936 = vector.broadcast %broadcast_in_dim3A_935 : f32 to vector<16xf32>
        %mul3A_937 = arith.constant 8 : i32
        %mul3A_938 = arith.muli %add3A_934, %mul3A_937 : i32
        %add3A_939 = arith.constant 0 : i32
        %add3A_940 = arith.addi %mul3A_938, %add3A_939 : i32
        %slice3A_941 = vector.extract_strided_slice %get3A_296 {offsets = [8], sizes = [1], strides = [1]} : vector<16xf32> to vector<1xf32>
        %squeeze3A_942 = vector.extract %slice3A_941[0] : f32 from vector<1xf32>
        %add3A_943 = arith.constant 0.000000e+00 : f32
        %add3A_944 = arith.addf %add3A_943, %squeeze3A_942 : f32
        %broadcast_in_dim3A_945 = vector.broadcast %squeeze3A_942 : f32 to vector<16xf32>
        %get3A_946 = arith.index_cast %rem3A_92 : i32 to index
        %get3A_947 = arith.index_cast %add3A_940 : i32 to index
        %get3A_948 = arith.constant 0 : index
        %get3A_949 = tpu.vector_load %arg8[%get3A_946, %get3A_947, %get3A_948] {strides = array<i32>} : memref<2x256x128xf32, #tpu.memory_space<vmem>>, vector<1x1x16xf32>,
        %get3A_950 = vector.shape_cast %get3A_949 : vector<1x1x16xf32> to vector<16xf32>
        %mul3A_951 = arith.mulf %broadcast_in_dim3A_945, %get3A_950 : vector<16xf32>
        %add3A_952 = arith.addf %broadcast_in_dim3A_936, %mul3A_951 : vector<16xf32>
        %get3A_953 = arith.index_cast %rem3A_92 : i32 to index
        %get3A_954 = arith.index_cast %add3A_940 : i32 to index
        %get3A_955 = arith.constant 16 : index
        %get3A_956 = tpu.vector_load %arg8[%get3A_953, %get3A_954, %get3A_955] {strides = array<i32>} : memref<2x256x128xf32, #tpu.memory_space<vmem>>, vector<1x1x16xf32>,
        %get3A_957 = vector.shape_cast %get3A_956 : vector<1x1x16xf32> to vector<16xf32>
        %mul3A_958 = arith.mulf %broadcast_in_dim3A_945, %get3A_957 : vector<16xf32>
        %add3A_959 = arith.addf %broadcast_in_dim3A_936, %mul3A_958 : vector<16xf32>
        %get3A_960 = arith.index_cast %rem3A_92 : i32 to index
        %get3A_961 = arith.index_cast %add3A_940 : i32 to index
        %get3A_962 = arith.constant 32 : index
        %get3A_963 = tpu.vector_load %arg8[%get3A_960, %get3A_961, %get3A_962] {strides = array<i32>} : memref<2x256x128xf32, #tpu.memory_space<vmem>>, vector<1x1x16xf32>,
        %get3A_964 = vector.shape_cast %get3A_963 : vector<1x1x16xf32> to vector<16xf32>
        %mul3A_965 = arith.mulf %broadcast_in_dim3A_945, %get3A_964 : vector<16xf32>
        %add3A_966 = arith.addf %broadcast_in_dim3A_936, %mul3A_965 : vector<16xf32>
        %get3A_967 = arith.index_cast %rem3A_92 : i32 to index
        %get3A_968 = arith.index_cast %add3A_940 : i32 to index
        %get3A_969 = arith.constant 48 : index
        %get3A_970 = tpu.vector_load %arg8[%get3A_967, %get3A_968, %get3A_969] {strides = array<i32>} : memref<2x256x128xf32, #tpu.memory_space<vmem>>, vector<1x1x16xf32>,
        %get3A_971 = vector.shape_cast %get3A_970 : vector<1x1x16xf32> to vector<16xf32>
        %mul3A_972 = arith.mulf %broadcast_in_dim3A_945, %get3A_971 : vector<16xf32>
        %add3A_973 = arith.addf %broadcast_in_dim3A_936, %mul3A_972 : vector<16xf32>
        %get3A_974 = arith.index_cast %rem3A_92 : i32 to index
        %get3A_975 = arith.index_cast %add3A_940 : i32 to index
        %get3A_976 = arith.constant 64 : index
        %get3A_977 = tpu.vector_load %arg8[%get3A_974, %get3A_975, %get3A_976] {strides = array<i32>} : memref<2x256x128xf32, #tpu.memory_space<vmem>>, vector<1x1x16xf32>,
        %get3A_978 = vector.shape_cast %get3A_977 : vector<1x1x16xf32> to vector<16xf32>
        %mul3A_979 = arith.mulf %broadcast_in_dim3A_945, %get3A_978 : vector<16xf32>
        %add3A_980 = arith.addf %broadcast_in_dim3A_936, %mul3A_979 : vector<16xf32>
        %get3A_981 = arith.index_cast %rem3A_92 : i32 to index
        %get3A_982 = arith.index_cast %add3A_940 : i32 to index
        %get3A_983 = arith.constant 80 : index
        %get3A_984 = tpu.vector_load %arg8[%get3A_981, %get3A_982, %get3A_983] {strides = array<i32>} : memref<2x256x128xf32, #tpu.memory_space<vmem>>, vector<1x1x16xf32>,
        %get3A_985 = vector.shape_cast %get3A_984 : vector<1x1x16xf32> to vector<16xf32>
        %mul3A_986 = arith.mulf %broadcast_in_dim3A_945, %get3A_985 : vector<16xf32>
        %add3A_987 = arith.addf %broadcast_in_dim3A_936, %mul3A_986 : vector<16xf32>
        %get3A_988 = arith.index_cast %rem3A_92 : i32 to index
        %get3A_989 = arith.index_cast %add3A_940 : i32 to index
        %get3A_990 = arith.constant 96 : index
        %get3A_991 = tpu.vector_load %arg8[%get3A_988, %get3A_989, %get3A_990] {strides = array<i32>} : memref<2x256x128xf32, #tpu.memory_space<vmem>>, vector<1x1x16xf32>,
        %get3A_992 = vector.shape_cast %get3A_991 : vector<1x1x16xf32> to vector<16xf32>
        %mul3A_993 = arith.mulf %broadcast_in_dim3A_945, %get3A_992 : vector<16xf32>
        %add3A_994 = arith.addf %broadcast_in_dim3A_936, %mul3A_993 : vector<16xf32>
        %get3A_995 = arith.index_cast %rem3A_92 : i32 to index
        %get3A_996 = arith.index_cast %add3A_940 : i32 to index
        %get3A_997 = arith.constant 112 : index
        %get3A_998 = tpu.vector_load %arg8[%get3A_995, %get3A_996, %get3A_997] {strides = array<i32>} : memref<2x256x128xf32, #tpu.memory_space<vmem>>, vector<1x1x16xf32>,
        %get3A_999 = vector.shape_cast %get3A_998 : vector<1x1x16xf32> to vector<16xf32>
        %mul3A_1000 = arith.mulf %broadcast_in_dim3A_945, %get3A_999 : vector<16xf32>
        %add3A_1001 = arith.addf %broadcast_in_dim3A_936, %mul3A_1000 : vector<16xf32>
        %mul3A_1002 = arith.constant 8 : i32
        %mul3A_1003 = arith.muli %add3A_934, %mul3A_1002 : i32
        %add3A_1004 = arith.constant 1 : i32
        %add3A_1005 = arith.addi %mul3A_1003, %add3A_1004 : i32
        %slice3A_1006 = vector.extract_strided_slice %get3A_296 {offsets = [9], sizes = [1], strides = [1]} : vector<16xf32> to vector<1xf32>
        %squeeze3A_1007 = vector.extract %slice3A_1006[0] : f32 from vector<1xf32>
        %add3A_1008 = arith.addf %add3A_944, %squeeze3A_1007 : f32
        %broadcast_in_dim3A_1009 = vector.broadcast %squeeze3A_1007 : f32 to vector<16xf32>
        %get3A_1010 = arith.index_cast %rem3A_92 : i32 to index
        %get3A_1011 = arith.index_cast %add3A_1005 : i32 to index
        %get3A_1012 = arith.constant 0 : index
        %get3A_1013 = tpu.vector_load %arg8[%get3A_1010, %get3A_1011, %get3A_1012] {strides = array<i32>} : memref<2x256x128xf32, #tpu.memory_space<vmem>>, vector<1x1x16xf32>,
        %get3A_1014 = vector.shape_cast %get3A_1013 : vector<1x1x16xf32> to vector<16xf32>
        %mul3A_1015 = arith.mulf %broadcast_in_dim3A_1009, %get3A_1014 : vector<16xf32>
        %add3A_1016 = arith.addf %add3A_952, %mul3A_1015 : vector<16xf32>
        %get3A_1017 = arith.index_cast %rem3A_92 : i32 to index
        %get3A_1018 = arith.index_cast %add3A_1005 : i32 to index
        %get3A_1019 = arith.constant 16 : index
        %get3A_1020 = tpu.vector_load %arg8[%get3A_1017, %get3A_1018, %get3A_1019] {strides = array<i32>} : memref<2x256x128xf32, #tpu.memory_space<vmem>>, vector<1x1x16xf32>,
        %get3A_1021 = vector.shape_cast %get3A_1020 : vector<1x1x16xf32> to vector<16xf32>
        %mul3A_1022 = arith.mulf %broadcast_in_dim3A_1009, %get3A_1021 : vector<16xf32>
        %add3A_1023 = arith.addf %add3A_959, %mul3A_1022 : vector<16xf32>
        %get3A_1024 = arith.index_cast %rem3A_92 : i32 to index
        %get3A_1025 = arith.index_cast %add3A_1005 : i32 to index
        %get3A_1026 = arith.constant 32 : index
        %get3A_1027 = tpu.vector_load %arg8[%get3A_1024, %get3A_1025, %get3A_1026] {strides = array<i32>} : memref<2x256x128xf32, #tpu.memory_space<vmem>>, vector<1x1x16xf32>,
        %get3A_1028 = vector.shape_cast %get3A_1027 : vector<1x1x16xf32> to vector<16xf32>
        %mul3A_1029 = arith.mulf %broadcast_in_dim3A_1009, %get3A_1028 : vector<16xf32>
        %add3A_1030 = arith.addf %add3A_966, %mul3A_1029 : vector<16xf32>
        %get3A_1031 = arith.index_cast %rem3A_92 : i32 to index
        %get3A_1032 = arith.index_cast %add3A_1005 : i32 to index
        %get3A_1033 = arith.constant 48 : index
        %get3A_1034 = tpu.vector_load %arg8[%get3A_1031, %get3A_1032, %get3A_1033] {strides = array<i32>} : memref<2x256x128xf32, #tpu.memory_space<vmem>>, vector<1x1x16xf32>,
        %get3A_1035 = vector.shape_cast %get3A_1034 : vector<1x1x16xf32> to vector<16xf32>
        %mul3A_1036 = arith.mulf %broadcast_in_dim3A_1009, %get3A_1035 : vector<16xf32>
        %add3A_1037 = arith.addf %add3A_973, %mul3A_1036 : vector<16xf32>
        %get3A_1038 = arith.index_cast %rem3A_92 : i32 to index
        %get3A_1039 = arith.index_cast %add3A_1005 : i32 to index
        %get3A_1040 = arith.constant 64 : index
        %get3A_1041 = tpu.vector_load %arg8[%get3A_1038, %get3A_1039, %get3A_1040] {strides = array<i32>} : memref<2x256x128xf32, #tpu.memory_space<vmem>>, vector<1x1x16xf32>,
        %get3A_1042 = vector.shape_cast %get3A_1041 : vector<1x1x16xf32> to vector<16xf32>
        %mul3A_1043 = arith.mulf %broadcast_in_dim3A_1009, %get3A_1042 : vector<16xf32>
        %add3A_1044 = arith.addf %add3A_980, %mul3A_1043 : vector<16xf32>
        %get3A_1045 = arith.index_cast %rem3A_92 : i32 to index
        %get3A_1046 = arith.index_cast %add3A_1005 : i32 to index
        %get3A_1047 = arith.constant 80 : index
        %get3A_1048 = tpu.vector_load %arg8[%get3A_1045, %get3A_1046, %get3A_1047] {strides = array<i32>} : memref<2x256x128xf32, #tpu.memory_space<vmem>>, vector<1x1x16xf32>,
        %get3A_1049 = vector.shape_cast %get3A_1048 : vector<1x1x16xf32> to vector<16xf32>
        %mul3A_1050 = arith.mulf %broadcast_in_dim3A_1009, %get3A_1049 : vector<16xf32>
        %add3A_1051 = arith.addf %add3A_987, %mul3A_1050 : vector<16xf32>
        %get3A_1052 = arith.index_cast %rem3A_92 : i32 to index
        %get3A_1053 = arith.index_cast %add3A_1005 : i32 to index
        %get3A_1054 = arith.constant 96 : index
        %get3A_1055 = tpu.vector_load %arg8[%get3A_1052, %get3A_1053, %get3A_1054] {strides = array<i32>} : memref<2x256x128xf32, #tpu.memory_space<vmem>>, vector<1x1x16xf32>,
        %get3A_1056 = vector.shape_cast %get3A_1055 : vector<1x1x16xf32> to vector<16xf32>
        %mul3A_1057 = arith.mulf %broadcast_in_dim3A_1009, %get3A_1056 : vector<16xf32>
        %add3A_1058 = arith.addf %add3A_994, %mul3A_1057 : vector<16xf32>
        %get3A_1059 = arith.index_cast %rem3A_92 : i32 to index
        %get3A_1060 = arith.index_cast %add3A_1005 : i32 to index
        %get3A_1061 = arith.constant 112 : index
        %get3A_1062 = tpu.vector_load %arg8[%get3A_1059, %get3A_1060, %get3A_1061] {strides = array<i32>} : memref<2x256x128xf32, #tpu.memory_space<vmem>>, vector<1x1x16xf32>,
        %get3A_1063 = vector.shape_cast %get3A_1062 : vector<1x1x16xf32> to vector<16xf32>
        %mul3A_1064 = arith.mulf %broadcast_in_dim3A_1009, %get3A_1063 : vector<16xf32>
        %add3A_1065 = arith.addf %add3A_1001, %mul3A_1064 : vector<16xf32>
        %mul3A_1066 = arith.constant 8 : i32
        %mul3A_1067 = arith.muli %add3A_934, %mul3A_1066 : i32
        %add3A_1068 = arith.constant 2 : i32
        %add3A_1069 = arith.addi %mul3A_1067, %add3A_1068 : i32
        %slice3A_1070 = vector.extract_strided_slice %get3A_296 {offsets = [10], sizes = [1], strides = [1]} : vector<16xf32> to vector<1xf32>
        %squeeze3A_1071 = vector.extract %slice3A_1070[0] : f32 from vector<1xf32>
        %add3A_1072 = arith.addf %add3A_1008, %squeeze3A_1071 : f32
        %broadcast_in_dim3A_1073 = vector.broadcast %squeeze3A_1071 : f32 to vector<16xf32>
        %get3A_1074 = arith.index_cast %rem3A_92 : i32 to index
        %get3A_1075 = arith.index_cast %add3A_1069 : i32 to index
        %get3A_1076 = arith.constant 0 : index
        %get3A_1077 = tpu.vector_load %arg8[%get3A_1074, %get3A_1075, %get3A_1076] {strides = array<i32>} : memref<2x256x128xf32, #tpu.memory_space<vmem>>, vector<1x1x16xf32>,
        %get3A_1078 = vector.shape_cast %get3A_1077 : vector<1x1x16xf32> to vector<16xf32>
        %mul3A_1079 = arith.mulf %broadcast_in_dim3A_1073, %get3A_1078 : vector<16xf32>
        %add3A_1080 = arith.addf %add3A_1016, %mul3A_1079 : vector<16xf32>
        %get3A_1081 = arith.index_cast %rem3A_92 : i32 to index
        %get3A_1082 = arith.index_cast %add3A_1069 : i32 to index
        %get3A_1083 = arith.constant 16 : index
        %get3A_1084 = tpu.vector_load %arg8[%get3A_1081, %get3A_1082, %get3A_1083] {strides = array<i32>} : memref<2x256x128xf32, #tpu.memory_space<vmem>>, vector<1x1x16xf32>,
        %get3A_1085 = vector.shape_cast %get3A_1084 : vector<1x1x16xf32> to vector<16xf32>
        %mul3A_1086 = arith.mulf %broadcast_in_dim3A_1073, %get3A_1085 : vector<16xf32>
        %add3A_1087 = arith.addf %add3A_1023, %mul3A_1086 : vector<16xf32>
        %get3A_1088 = arith.index_cast %rem3A_92 : i32 to index
        %get3A_1089 = arith.index_cast %add3A_1069 : i32 to index
        %get3A_1090 = arith.constant 32 : index
        %get3A_1091 = tpu.vector_load %arg8[%get3A_1088, %get3A_1089, %get3A_1090] {strides = array<i32>} : memref<2x256x128xf32, #tpu.memory_space<vmem>>, vector<1x1x16xf32>,
        %get3A_1092 = vector.shape_cast %get3A_1091 : vector<1x1x16xf32> to vector<16xf32>
        %mul3A_1093 = arith.mulf %broadcast_in_dim3A_1073, %get3A_1092 : vector<16xf32>
        %add3A_1094 = arith.addf %add3A_1030, %mul3A_1093 : vector<16xf32>
        %get3A_1095 = arith.index_cast %rem3A_92 : i32 to index
        %get3A_1096 = arith.index_cast %add3A_1069 : i32 to index
        %get3A_1097 = arith.constant 48 : index
        %get3A_1098 = tpu.vector_load %arg8[%get3A_1095, %get3A_1096, %get3A_1097] {strides = array<i32>} : memref<2x256x128xf32, #tpu.memory_space<vmem>>, vector<1x1x16xf32>,
        %get3A_1099 = vector.shape_cast %get3A_1098 : vector<1x1x16xf32> to vector<16xf32>
        %mul3A_1100 = arith.mulf %broadcast_in_dim3A_1073, %get3A_1099 : vector<16xf32>
        %add3A_1101 = arith.addf %add3A_1037, %mul3A_1100 : vector<16xf32>
        %get3A_1102 = arith.index_cast %rem3A_92 : i32 to index
        %get3A_1103 = arith.index_cast %add3A_1069 : i32 to index
        %get3A_1104 = arith.constant 64 : index
        %get3A_1105 = tpu.vector_load %arg8[%get3A_1102, %get3A_1103, %get3A_1104] {strides = array<i32>} : memref<2x256x128xf32, #tpu.memory_space<vmem>>, vector<1x1x16xf32>,
        %get3A_1106 = vector.shape_cast %get3A_1105 : vector<1x1x16xf32> to vector<16xf32>
        %mul3A_1107 = arith.mulf %broadcast_in_dim3A_1073, %get3A_1106 : vector<16xf32>
        %add3A_1108 = arith.addf %add3A_1044, %mul3A_1107 : vector<16xf32>
        %get3A_1109 = arith.index_cast %rem3A_92 : i32 to index
        %get3A_1110 = arith.index_cast %add3A_1069 : i32 to index
        %get3A_1111 = arith.constant 80 : index
        %get3A_1112 = tpu.vector_load %arg8[%get3A_1109, %get3A_1110, %get3A_1111] {strides = array<i32>} : memref<2x256x128xf32, #tpu.memory_space<vmem>>, vector<1x1x16xf32>,
        %get3A_1113 = vector.shape_cast %get3A_1112 : vector<1x1x16xf32> to vector<16xf32>
        %mul3A_1114 = arith.mulf %broadcast_in_dim3A_1073, %get3A_1113 : vector<16xf32>
        %add3A_1115 = arith.addf %add3A_1051, %mul3A_1114 : vector<16xf32>
        %get3A_1116 = arith.index_cast %rem3A_92 : i32 to index
        %get3A_1117 = arith.index_cast %add3A_1069 : i32 to index
        %get3A_1118 = arith.constant 96 : index
        %get3A_1119 = tpu.vector_load %arg8[%get3A_1116, %get3A_1117, %get3A_1118] {strides = array<i32>} : memref<2x256x128xf32, #tpu.memory_space<vmem>>, vector<1x1x16xf32>,
        %get3A_1120 = vector.shape_cast %get3A_1119 : vector<1x1x16xf32> to vector<16xf32>
        %mul3A_1121 = arith.mulf %broadcast_in_dim3A_1073, %get3A_1120 : vector<16xf32>
        %add3A_1122 = arith.addf %add3A_1058, %mul3A_1121 : vector<16xf32>
        %get3A_1123 = arith.index_cast %rem3A_92 : i32 to index
        %get3A_1124 = arith.index_cast %add3A_1069 : i32 to index
        %get3A_1125 = arith.constant 112 : index
        %get3A_1126 = tpu.vector_load %arg8[%get3A_1123, %get3A_1124, %get3A_1125] {strides = array<i32>} : memref<2x256x128xf32, #tpu.memory_space<vmem>>, vector<1x1x16xf32>,
        %get3A_1127 = vector.shape_cast %get3A_1126 : vector<1x1x16xf32> to vector<16xf32>
        %mul3A_1128 = arith.mulf %broadcast_in_dim3A_1073, %get3A_1127 : vector<16xf32>
        %add3A_1129 = arith.addf %add3A_1065, %mul3A_1128 : vector<16xf32>
        %mul3A_1130 = arith.constant 8 : i32
        %mul3A_1131 = arith.muli %add3A_934, %mul3A_1130 : i32
        %add3A_1132 = arith.constant 3 : i32
        %add3A_1133 = arith.addi %mul3A_1131, %add3A_1132 : i32
        %slice3A_1134 = vector.extract_strided_slice %get3A_296 {offsets = [11], sizes = [1], strides = [1]} : vector<16xf32> to vector<1xf32>
        %squeeze3A_1135 = vector.extract %slice3A_1134[0] : f32 from vector<1xf32>
        %add3A_1136 = arith.addf %add3A_1072, %squeeze3A_1135 : f32
        %broadcast_in_dim3A_1137 = vector.broadcast %squeeze3A_1135 : f32 to vector<16xf32>
        %get3A_1138 = arith.index_cast %rem3A_92 : i32 to index
        %get3A_1139 = arith.index_cast %add3A_1133 : i32 to index
        %get3A_1140 = arith.constant 0 : index
        %get3A_1141 = tpu.vector_load %arg8[%get3A_1138, %get3A_1139, %get3A_1140] {strides = array<i32>} : memref<2x256x128xf32, #tpu.memory_space<vmem>>, vector<1x1x16xf32>,
        %get3A_1142 = vector.shape_cast %get3A_1141 : vector<1x1x16xf32> to vector<16xf32>
        %mul3A_1143 = arith.mulf %broadcast_in_dim3A_1137, %get3A_1142 : vector<16xf32>
        %add3A_1144 = arith.addf %add3A_1080, %mul3A_1143 : vector<16xf32>
        %get3A_1145 = arith.index_cast %rem3A_92 : i32 to index
        %get3A_1146 = arith.index_cast %add3A_1133 : i32 to index
        %get3A_1147 = arith.constant 16 : index
        %get3A_1148 = tpu.vector_load %arg8[%get3A_1145, %get3A_1146, %get3A_1147] {strides = array<i32>} : memref<2x256x128xf32, #tpu.memory_space<vmem>>, vector<1x1x16xf32>,
        %get3A_1149 = vector.shape_cast %get3A_1148 : vector<1x1x16xf32> to vector<16xf32>
        %mul3A_1150 = arith.mulf %broadcast_in_dim3A_1137, %get3A_1149 : vector<16xf32>
        %add3A_1151 = arith.addf %add3A_1087, %mul3A_1150 : vector<16xf32>
        %get3A_1152 = arith.index_cast %rem3A_92 : i32 to index
        %get3A_1153 = arith.index_cast %add3A_1133 : i32 to index
        %get3A_1154 = arith.constant 32 : index
        %get3A_1155 = tpu.vector_load %arg8[%get3A_1152, %get3A_1153, %get3A_1154] {strides = array<i32>} : memref<2x256x128xf32, #tpu.memory_space<vmem>>, vector<1x1x16xf32>,
        %get3A_1156 = vector.shape_cast %get3A_1155 : vector<1x1x16xf32> to vector<16xf32>
        %mul3A_1157 = arith.mulf %broadcast_in_dim3A_1137, %get3A_1156 : vector<16xf32>
        %add3A_1158 = arith.addf %add3A_1094, %mul3A_1157 : vector<16xf32>
        %get3A_1159 = arith.index_cast %rem3A_92 : i32 to index
        %get3A_1160 = arith.index_cast %add3A_1133 : i32 to index
        %get3A_1161 = arith.constant 48 : index
        %get3A_1162 = tpu.vector_load %arg8[%get3A_1159, %get3A_1160, %get3A_1161] {strides = array<i32>} : memref<2x256x128xf32, #tpu.memory_space<vmem>>, vector<1x1x16xf32>,
        %get3A_1163 = vector.shape_cast %get3A_1162 : vector<1x1x16xf32> to vector<16xf32>
        %mul3A_1164 = arith.mulf %broadcast_in_dim3A_1137, %get3A_1163 : vector<16xf32>
        %add3A_1165 = arith.addf %add3A_1101, %mul3A_1164 : vector<16xf32>
        %get3A_1166 = arith.index_cast %rem3A_92 : i32 to index
        %get3A_1167 = arith.index_cast %add3A_1133 : i32 to index
        %get3A_1168 = arith.constant 64 : index
        %get3A_1169 = tpu.vector_load %arg8[%get3A_1166, %get3A_1167, %get3A_1168] {strides = array<i32>} : memref<2x256x128xf32, #tpu.memory_space<vmem>>, vector<1x1x16xf32>,
        %get3A_1170 = vector.shape_cast %get3A_1169 : vector<1x1x16xf32> to vector<16xf32>
        %mul3A_1171 = arith.mulf %broadcast_in_dim3A_1137, %get3A_1170 : vector<16xf32>
        %add3A_1172 = arith.addf %add3A_1108, %mul3A_1171 : vector<16xf32>
        %get3A_1173 = arith.index_cast %rem3A_92 : i32 to index
        %get3A_1174 = arith.index_cast %add3A_1133 : i32 to index
        %get3A_1175 = arith.constant 80 : index
        %get3A_1176 = tpu.vector_load %arg8[%get3A_1173, %get3A_1174, %get3A_1175] {strides = array<i32>} : memref<2x256x128xf32, #tpu.memory_space<vmem>>, vector<1x1x16xf32>,
        %get3A_1177 = vector.shape_cast %get3A_1176 : vector<1x1x16xf32> to vector<16xf32>
        %mul3A_1178 = arith.mulf %broadcast_in_dim3A_1137, %get3A_1177 : vector<16xf32>
        %add3A_1179 = arith.addf %add3A_1115, %mul3A_1178 : vector<16xf32>
        %get3A_1180 = arith.index_cast %rem3A_92 : i32 to index
        %get3A_1181 = arith.index_cast %add3A_1133 : i32 to index
        %get3A_1182 = arith.constant 96 : index
        %get3A_1183 = tpu.vector_load %arg8[%get3A_1180, %get3A_1181, %get3A_1182] {strides = array<i32>} : memref<2x256x128xf32, #tpu.memory_space<vmem>>, vector<1x1x16xf32>,
        %get3A_1184 = vector.shape_cast %get3A_1183 : vector<1x1x16xf32> to vector<16xf32>
        %mul3A_1185 = arith.mulf %broadcast_in_dim3A_1137, %get3A_1184 : vector<16xf32>
        %add3A_1186 = arith.addf %add3A_1122, %mul3A_1185 : vector<16xf32>
        %get3A_1187 = arith.index_cast %rem3A_92 : i32 to index
        %get3A_1188 = arith.index_cast %add3A_1133 : i32 to index
        %get3A_1189 = arith.constant 112 : index
        %get3A_1190 = tpu.vector_load %arg8[%get3A_1187, %get3A_1188, %get3A_1189] {strides = array<i32>} : memref<2x256x128xf32, #tpu.memory_space<vmem>>, vector<1x1x16xf32>,
        %get3A_1191 = vector.shape_cast %get3A_1190 : vector<1x1x16xf32> to vector<16xf32>
        %mul3A_1192 = arith.mulf %broadcast_in_dim3A_1137, %get3A_1191 : vector<16xf32>
        %add3A_1193 = arith.addf %add3A_1129, %mul3A_1192 : vector<16xf32>
        %mul3A_1194 = arith.constant 8 : i32
        %mul3A_1195 = arith.muli %add3A_934, %mul3A_1194 : i32
        %add3A_1196 = arith.constant 4 : i32
        %add3A_1197 = arith.addi %mul3A_1195, %add3A_1196 : i32
        %slice3A_1198 = vector.extract_strided_slice %get3A_296 {offsets = [12], sizes = [1], strides = [1]} : vector<16xf32> to vector<1xf32>
        %squeeze3A_1199 = vector.extract %slice3A_1198[0] : f32 from vector<1xf32>
        %add3A_1200 = arith.addf %add3A_1136, %squeeze3A_1199 : f32
        %broadcast_in_dim3A_1201 = vector.broadcast %squeeze3A_1199 : f32 to vector<16xf32>
        %get3A_1202 = arith.index_cast %rem3A_92 : i32 to index
        %get3A_1203 = arith.index_cast %add3A_1197 : i32 to index
        %get3A_1204 = arith.constant 0 : index
        %get3A_1205 = tpu.vector_load %arg8[%get3A_1202, %get3A_1203, %get3A_1204] {strides = array<i32>} : memref<2x256x128xf32, #tpu.memory_space<vmem>>, vector<1x1x16xf32>,
        %get3A_1206 = vector.shape_cast %get3A_1205 : vector<1x1x16xf32> to vector<16xf32>
        %mul3A_1207 = arith.mulf %broadcast_in_dim3A_1201, %get3A_1206 : vector<16xf32>
        %add3A_1208 = arith.addf %add3A_1144, %mul3A_1207 : vector<16xf32>
        %get3A_1209 = arith.index_cast %rem3A_92 : i32 to index
        %get3A_1210 = arith.index_cast %add3A_1197 : i32 to index
        %get3A_1211 = arith.constant 16 : index
        %get3A_1212 = tpu.vector_load %arg8[%get3A_1209, %get3A_1210, %get3A_1211] {strides = array<i32>} : memref<2x256x128xf32, #tpu.memory_space<vmem>>, vector<1x1x16xf32>,
        %get3A_1213 = vector.shape_cast %get3A_1212 : vector<1x1x16xf32> to vector<16xf32>
        %mul3A_1214 = arith.mulf %broadcast_in_dim3A_1201, %get3A_1213 : vector<16xf32>
        %add3A_1215 = arith.addf %add3A_1151, %mul3A_1214 : vector<16xf32>
        %get3A_1216 = arith.index_cast %rem3A_92 : i32 to index
        %get3A_1217 = arith.index_cast %add3A_1197 : i32 to index
        %get3A_1218 = arith.constant 32 : index
        %get3A_1219 = tpu.vector_load %arg8[%get3A_1216, %get3A_1217, %get3A_1218] {strides = array<i32>} : memref<2x256x128xf32, #tpu.memory_space<vmem>>, vector<1x1x16xf32>,
        %get3A_1220 = vector.shape_cast %get3A_1219 : vector<1x1x16xf32> to vector<16xf32>
        %mul3A_1221 = arith.mulf %broadcast_in_dim3A_1201, %get3A_1220 : vector<16xf32>
        %add3A_1222 = arith.addf %add3A_1158, %mul3A_1221 : vector<16xf32>
        %get3A_1223 = arith.index_cast %rem3A_92 : i32 to index
        %get3A_1224 = arith.index_cast %add3A_1197 : i32 to index
        %get3A_1225 = arith.constant 48 : index
        %get3A_1226 = tpu.vector_load %arg8[%get3A_1223, %get3A_1224, %get3A_1225] {strides = array<i32>} : memref<2x256x128xf32, #tpu.memory_space<vmem>>, vector<1x1x16xf32>,
        %get3A_1227 = vector.shape_cast %get3A_1226 : vector<1x1x16xf32> to vector<16xf32>
        %mul3A_1228 = arith.mulf %broadcast_in_dim3A_1201, %get3A_1227 : vector<16xf32>
        %add3A_1229 = arith.addf %add3A_1165, %mul3A_1228 : vector<16xf32>
        %get3A_1230 = arith.index_cast %rem3A_92 : i32 to index
        %get3A_1231 = arith.index_cast %add3A_1197 : i32 to index
        %get3A_1232 = arith.constant 64 : index
        %get3A_1233 = tpu.vector_load %arg8[%get3A_1230, %get3A_1231, %get3A_1232] {strides = array<i32>} : memref<2x256x128xf32, #tpu.memory_space<vmem>>, vector<1x1x16xf32>,
        %get3A_1234 = vector.shape_cast %get3A_1233 : vector<1x1x16xf32> to vector<16xf32>
        %mul3A_1235 = arith.mulf %broadcast_in_dim3A_1201, %get3A_1234 : vector<16xf32>
        %add3A_1236 = arith.addf %add3A_1172, %mul3A_1235 : vector<16xf32>
        %get3A_1237 = arith.index_cast %rem3A_92 : i32 to index
        %get3A_1238 = arith.index_cast %add3A_1197 : i32 to index
        %get3A_1239 = arith.constant 80 : index
        %get3A_1240 = tpu.vector_load %arg8[%get3A_1237, %get3A_1238, %get3A_1239] {strides = array<i32>} : memref<2x256x128xf32, #tpu.memory_space<vmem>>, vector<1x1x16xf32>,
        %get3A_1241 = vector.shape_cast %get3A_1240 : vector<1x1x16xf32> to vector<16xf32>
        %mul3A_1242 = arith.mulf %broadcast_in_dim3A_1201, %get3A_1241 : vector<16xf32>
        %add3A_1243 = arith.addf %add3A_1179, %mul3A_1242 : vector<16xf32>
        %get3A_1244 = arith.index_cast %rem3A_92 : i32 to index
        %get3A_1245 = arith.index_cast %add3A_1197 : i32 to index
        %get3A_1246 = arith.constant 96 : index
        %get3A_1247 = tpu.vector_load %arg8[%get3A_1244, %get3A_1245, %get3A_1246] {strides = array<i32>} : memref<2x256x128xf32, #tpu.memory_space<vmem>>, vector<1x1x16xf32>,
        %get3A_1248 = vector.shape_cast %get3A_1247 : vector<1x1x16xf32> to vector<16xf32>
        %mul3A_1249 = arith.mulf %broadcast_in_dim3A_1201, %get3A_1248 : vector<16xf32>
        %add3A_1250 = arith.addf %add3A_1186, %mul3A_1249 : vector<16xf32>
        %get3A_1251 = arith.index_cast %rem3A_92 : i32 to index
        %get3A_1252 = arith.index_cast %add3A_1197 : i32 to index
        %get3A_1253 = arith.constant 112 : index
        %get3A_1254 = tpu.vector_load %arg8[%get3A_1251, %get3A_1252, %get3A_1253] {strides = array<i32>} : memref<2x256x128xf32, #tpu.memory_space<vmem>>, vector<1x1x16xf32>,
        %get3A_1255 = vector.shape_cast %get3A_1254 : vector<1x1x16xf32> to vector<16xf32>
        %mul3A_1256 = arith.mulf %broadcast_in_dim3A_1201, %get3A_1255 : vector<16xf32>
        %add3A_1257 = arith.addf %add3A_1193, %mul3A_1256 : vector<16xf32>
        %mul3A_1258 = arith.constant 8 : i32
        %mul3A_1259 = arith.muli %add3A_934, %mul3A_1258 : i32
        %add3A_1260 = arith.constant 5 : i32
        %add3A_1261 = arith.addi %mul3A_1259, %add3A_1260 : i32
        %slice3A_1262 = vector.extract_strided_slice %get3A_296 {offsets = [13], sizes = [1], strides = [1]} : vector<16xf32> to vector<1xf32>
        %squeeze3A_1263 = vector.extract %slice3A_1262[0] : f32 from vector<1xf32>
        %add3A_1264 = arith.addf %add3A_1200, %squeeze3A_1263 : f32
        %broadcast_in_dim3A_1265 = vector.broadcast %squeeze3A_1263 : f32 to vector<16xf32>
        %get3A_1266 = arith.index_cast %rem3A_92 : i32 to index
        %get3A_1267 = arith.index_cast %add3A_1261 : i32 to index
        %get3A_1268 = arith.constant 0 : index
        %get3A_1269 = tpu.vector_load %arg8[%get3A_1266, %get3A_1267, %get3A_1268] {strides = array<i32>} : memref<2x256x128xf32, #tpu.memory_space<vmem>>, vector<1x1x16xf32>,
        %get3A_1270 = vector.shape_cast %get3A_1269 : vector<1x1x16xf32> to vector<16xf32>
        %mul3A_1271 = arith.mulf %broadcast_in_dim3A_1265, %get3A_1270 : vector<16xf32>
        %add3A_1272 = arith.addf %add3A_1208, %mul3A_1271 : vector<16xf32>
        %get3A_1273 = arith.index_cast %rem3A_92 : i32 to index
        %get3A_1274 = arith.index_cast %add3A_1261 : i32 to index
        %get3A_1275 = arith.constant 16 : index
        %get3A_1276 = tpu.vector_load %arg8[%get3A_1273, %get3A_1274, %get3A_1275] {strides = array<i32>} : memref<2x256x128xf32, #tpu.memory_space<vmem>>, vector<1x1x16xf32>,
        %get3A_1277 = vector.shape_cast %get3A_1276 : vector<1x1x16xf32> to vector<16xf32>
        %mul3A_1278 = arith.mulf %broadcast_in_dim3A_1265, %get3A_1277 : vector<16xf32>
        %add3A_1279 = arith.addf %add3A_1215, %mul3A_1278 : vector<16xf32>
        %get3A_1280 = arith.index_cast %rem3A_92 : i32 to index
        %get3A_1281 = arith.index_cast %add3A_1261 : i32 to index
        %get3A_1282 = arith.constant 32 : index
        %get3A_1283 = tpu.vector_load %arg8[%get3A_1280, %get3A_1281, %get3A_1282] {strides = array<i32>} : memref<2x256x128xf32, #tpu.memory_space<vmem>>, vector<1x1x16xf32>,
        %get3A_1284 = vector.shape_cast %get3A_1283 : vector<1x1x16xf32> to vector<16xf32>
        %mul3A_1285 = arith.mulf %broadcast_in_dim3A_1265, %get3A_1284 : vector<16xf32>
        %add3A_1286 = arith.addf %add3A_1222, %mul3A_1285 : vector<16xf32>
        %get3A_1287 = arith.index_cast %rem3A_92 : i32 to index
        %get3A_1288 = arith.index_cast %add3A_1261 : i32 to index
        %get3A_1289 = arith.constant 48 : index
        %get3A_1290 = tpu.vector_load %arg8[%get3A_1287, %get3A_1288, %get3A_1289] {strides = array<i32>} : memref<2x256x128xf32, #tpu.memory_space<vmem>>, vector<1x1x16xf32>,
        %get3A_1291 = vector.shape_cast %get3A_1290 : vector<1x1x16xf32> to vector<16xf32>
        %mul3A_1292 = arith.mulf %broadcast_in_dim3A_1265, %get3A_1291 : vector<16xf32>
        %add3A_1293 = arith.addf %add3A_1229, %mul3A_1292 : vector<16xf32>
        %get3A_1294 = arith.index_cast %rem3A_92 : i32 to index
        %get3A_1295 = arith.index_cast %add3A_1261 : i32 to index
        %get3A_1296 = arith.constant 64 : index
        %get3A_1297 = tpu.vector_load %arg8[%get3A_1294, %get3A_1295, %get3A_1296] {strides = array<i32>} : memref<2x256x128xf32, #tpu.memory_space<vmem>>, vector<1x1x16xf32>,
        %get3A_1298 = vector.shape_cast %get3A_1297 : vector<1x1x16xf32> to vector<16xf32>
        %mul3A_1299 = arith.mulf %broadcast_in_dim3A_1265, %get3A_1298 : vector<16xf32>
        %add3A_1300 = arith.addf %add3A_1236, %mul3A_1299 : vector<16xf32>
        %get3A_1301 = arith.index_cast %rem3A_92 : i32 to index
        %get3A_1302 = arith.index_cast %add3A_1261 : i32 to index
        %get3A_1303 = arith.constant 80 : index
        %get3A_1304 = tpu.vector_load %arg8[%get3A_1301, %get3A_1302, %get3A_1303] {strides = array<i32>} : memref<2x256x128xf32, #tpu.memory_space<vmem>>, vector<1x1x16xf32>,
        %get3A_1305 = vector.shape_cast %get3A_1304 : vector<1x1x16xf32> to vector<16xf32>
        %mul3A_1306 = arith.mulf %broadcast_in_dim3A_1265, %get3A_1305 : vector<16xf32>
        %add3A_1307 = arith.addf %add3A_1243, %mul3A_1306 : vector<16xf32>
        %get3A_1308 = arith.index_cast %rem3A_92 : i32 to index
        %get3A_1309 = arith.index_cast %add3A_1261 : i32 to index
        %get3A_1310 = arith.constant 96 : index
        %get3A_1311 = tpu.vector_load %arg8[%get3A_1308, %get3A_1309, %get3A_1310] {strides = array<i32>} : memref<2x256x128xf32, #tpu.memory_space<vmem>>, vector<1x1x16xf32>,
        %get3A_1312 = vector.shape_cast %get3A_1311 : vector<1x1x16xf32> to vector<16xf32>
        %mul3A_1313 = arith.mulf %broadcast_in_dim3A_1265, %get3A_1312 : vector<16xf32>
        %add3A_1314 = arith.addf %add3A_1250, %mul3A_1313 : vector<16xf32>
        %get3A_1315 = arith.index_cast %rem3A_92 : i32 to index
        %get3A_1316 = arith.index_cast %add3A_1261 : i32 to index
        %get3A_1317 = arith.constant 112 : index
        %get3A_1318 = tpu.vector_load %arg8[%get3A_1315, %get3A_1316, %get3A_1317] {strides = array<i32>} : memref<2x256x128xf32, #tpu.memory_space<vmem>>, vector<1x1x16xf32>,
        %get3A_1319 = vector.shape_cast %get3A_1318 : vector<1x1x16xf32> to vector<16xf32>
        %mul3A_1320 = arith.mulf %broadcast_in_dim3A_1265, %get3A_1319 : vector<16xf32>
        %add3A_1321 = arith.addf %add3A_1257, %mul3A_1320 : vector<16xf32>
        %mul3A_1322 = arith.constant 8 : i32
        %mul3A_1323 = arith.muli %add3A_934, %mul3A_1322 : i32
        %add3A_1324 = arith.constant 6 : i32
        %add3A_1325 = arith.addi %mul3A_1323, %add3A_1324 : i32
        %slice3A_1326 = vector.extract_strided_slice %get3A_296 {offsets = [14], sizes = [1], strides = [1]} : vector<16xf32> to vector<1xf32>
        %squeeze3A_1327 = vector.extract %slice3A_1326[0] : f32 from vector<1xf32>
        %add3A_1328 = arith.addf %add3A_1264, %squeeze3A_1327 : f32
        %broadcast_in_dim3A_1329 = vector.broadcast %squeeze3A_1327 : f32 to vector<16xf32>
        %get3A_1330 = arith.index_cast %rem3A_92 : i32 to index
        %get3A_1331 = arith.index_cast %add3A_1325 : i32 to index
        %get3A_1332 = arith.constant 0 : index
        %get3A_1333 = tpu.vector_load %arg8[%get3A_1330, %get3A_1331, %get3A_1332] {strides = array<i32>} : memref<2x256x128xf32, #tpu.memory_space<vmem>>, vector<1x1x16xf32>,
        %get3A_1334 = vector.shape_cast %get3A_1333 : vector<1x1x16xf32> to vector<16xf32>
        %mul3A_1335 = arith.mulf %broadcast_in_dim3A_1329, %get3A_1334 : vector<16xf32>
        %add3A_1336 = arith.addf %add3A_1272, %mul3A_1335 : vector<16xf32>
        %get3A_1337 = arith.index_cast %rem3A_92 : i32 to index
        %get3A_1338 = arith.index_cast %add3A_1325 : i32 to index
        %get3A_1339 = arith.constant 16 : index
        %get3A_1340 = tpu.vector_load %arg8[%get3A_1337, %get3A_1338, %get3A_1339] {strides = array<i32>} : memref<2x256x128xf32, #tpu.memory_space<vmem>>, vector<1x1x16xf32>,
        %get3A_1341 = vector.shape_cast %get3A_1340 : vector<1x1x16xf32> to vector<16xf32>
        %mul3A_1342 = arith.mulf %broadcast_in_dim3A_1329, %get3A_1341 : vector<16xf32>
        %add3A_1343 = arith.addf %add3A_1279, %mul3A_1342 : vector<16xf32>
        %get3A_1344 = arith.index_cast %rem3A_92 : i32 to index
        %get3A_1345 = arith.index_cast %add3A_1325 : i32 to index
        %get3A_1346 = arith.constant 32 : index
        %get3A_1347 = tpu.vector_load %arg8[%get3A_1344, %get3A_1345, %get3A_1346] {strides = array<i32>} : memref<2x256x128xf32, #tpu.memory_space<vmem>>, vector<1x1x16xf32>,
        %get3A_1348 = vector.shape_cast %get3A_1347 : vector<1x1x16xf32> to vector<16xf32>
        %mul3A_1349 = arith.mulf %broadcast_in_dim3A_1329, %get3A_1348 : vector<16xf32>
        %add3A_1350 = arith.addf %add3A_1286, %mul3A_1349 : vector<16xf32>
        %get3A_1351 = arith.index_cast %rem3A_92 : i32 to index
        %get3A_1352 = arith.index_cast %add3A_1325 : i32 to index
        %get3A_1353 = arith.constant 48 : index
        %get3A_1354 = tpu.vector_load %arg8[%get3A_1351, %get3A_1352, %get3A_1353] {strides = array<i32>} : memref<2x256x128xf32, #tpu.memory_space<vmem>>, vector<1x1x16xf32>,
        %get3A_1355 = vector.shape_cast %get3A_1354 : vector<1x1x16xf32> to vector<16xf32>
        %mul3A_1356 = arith.mulf %broadcast_in_dim3A_1329, %get3A_1355 : vector<16xf32>
        %add3A_1357 = arith.addf %add3A_1293, %mul3A_1356 : vector<16xf32>
        %get3A_1358 = arith.index_cast %rem3A_92 : i32 to index
        %get3A_1359 = arith.index_cast %add3A_1325 : i32 to index
        %get3A_1360 = arith.constant 64 : index
        %get3A_1361 = tpu.vector_load %arg8[%get3A_1358, %get3A_1359, %get3A_1360] {strides = array<i32>} : memref<2x256x128xf32, #tpu.memory_space<vmem>>, vector<1x1x16xf32>,
        %get3A_1362 = vector.shape_cast %get3A_1361 : vector<1x1x16xf32> to vector<16xf32>
        %mul3A_1363 = arith.mulf %broadcast_in_dim3A_1329, %get3A_1362 : vector<16xf32>
        %add3A_1364 = arith.addf %add3A_1300, %mul3A_1363 : vector<16xf32>
        %get3A_1365 = arith.index_cast %rem3A_92 : i32 to index
        %get3A_1366 = arith.index_cast %add3A_1325 : i32 to index
        %get3A_1367 = arith.constant 80 : index
        %get3A_1368 = tpu.vector_load %arg8[%get3A_1365, %get3A_1366, %get3A_1367] {strides = array<i32>} : memref<2x256x128xf32, #tpu.memory_space<vmem>>, vector<1x1x16xf32>,
        %get3A_1369 = vector.shape_cast %get3A_1368 : vector<1x1x16xf32> to vector<16xf32>
        %mul3A_1370 = arith.mulf %broadcast_in_dim3A_1329, %get3A_1369 : vector<16xf32>
        %add3A_1371 = arith.addf %add3A_1307, %mul3A_1370 : vector<16xf32>
        %get3A_1372 = arith.index_cast %rem3A_92 : i32 to index
        %get3A_1373 = arith.index_cast %add3A_1325 : i32 to index
        %get3A_1374 = arith.constant 96 : index
        %get3A_1375 = tpu.vector_load %arg8[%get3A_1372, %get3A_1373, %get3A_1374] {strides = array<i32>} : memref<2x256x128xf32, #tpu.memory_space<vmem>>, vector<1x1x16xf32>,
        %get3A_1376 = vector.shape_cast %get3A_1375 : vector<1x1x16xf32> to vector<16xf32>
        %mul3A_1377 = arith.mulf %broadcast_in_dim3A_1329, %get3A_1376 : vector<16xf32>
        %add3A_1378 = arith.addf %add3A_1314, %mul3A_1377 : vector<16xf32>
        %get3A_1379 = arith.index_cast %rem3A_92 : i32 to index
        %get3A_1380 = arith.index_cast %add3A_1325 : i32 to index
        %get3A_1381 = arith.constant 112 : index
        %get3A_1382 = tpu.vector_load %arg8[%get3A_1379, %get3A_1380, %get3A_1381] {strides = array<i32>} : memref<2x256x128xf32, #tpu.memory_space<vmem>>, vector<1x1x16xf32>,
        %get3A_1383 = vector.shape_cast %get3A_1382 : vector<1x1x16xf32> to vector<16xf32>
        %mul3A_1384 = arith.mulf %broadcast_in_dim3A_1329, %get3A_1383 : vector<16xf32>
        %add3A_1385 = arith.addf %add3A_1321, %mul3A_1384 : vector<16xf32>
        %mul3A_1386 = arith.constant 8 : i32
        %mul3A_1387 = arith.muli %add3A_934, %mul3A_1386 : i32
        %add3A_1388 = arith.constant 7 : i32
        %add3A_1389 = arith.addi %mul3A_1387, %add3A_1388 : i32
        %slice3A_1390 = vector.extract_strided_slice %get3A_296 {offsets = [15], sizes = [1], strides = [1]} : vector<16xf32> to vector<1xf32>
        %squeeze3A_1391 = vector.extract %slice3A_1390[0] : f32 from vector<1xf32>
        %add3A_1392 = arith.addf %add3A_1328, %squeeze3A_1391 : f32
        %broadcast_in_dim3A_1393 = vector.broadcast %squeeze3A_1391 : f32 to vector<16xf32>
        %get3A_1394 = arith.index_cast %rem3A_92 : i32 to index
        %get3A_1395 = arith.index_cast %add3A_1389 : i32 to index
        %get3A_1396 = arith.constant 0 : index
        %get3A_1397 = tpu.vector_load %arg8[%get3A_1394, %get3A_1395, %get3A_1396] {strides = array<i32>} : memref<2x256x128xf32, #tpu.memory_space<vmem>>, vector<1x1x16xf32>,
        %get3A_1398 = vector.shape_cast %get3A_1397 : vector<1x1x16xf32> to vector<16xf32>
        %mul3A_1399 = arith.mulf %broadcast_in_dim3A_1393, %get3A_1398 : vector<16xf32>
        %add3A_1400 = arith.addf %add3A_1336, %mul3A_1399 : vector<16xf32>
        %get3A_1401 = arith.index_cast %rem3A_92 : i32 to index
        %get3A_1402 = arith.index_cast %add3A_1389 : i32 to index
        %get3A_1403 = arith.constant 16 : index
        %get3A_1404 = tpu.vector_load %arg8[%get3A_1401, %get3A_1402, %get3A_1403] {strides = array<i32>} : memref<2x256x128xf32, #tpu.memory_space<vmem>>, vector<1x1x16xf32>,
        %get3A_1405 = vector.shape_cast %get3A_1404 : vector<1x1x16xf32> to vector<16xf32>
        %mul3A_1406 = arith.mulf %broadcast_in_dim3A_1393, %get3A_1405 : vector<16xf32>
        %add3A_1407 = arith.addf %add3A_1343, %mul3A_1406 : vector<16xf32>
        %get3A_1408 = arith.index_cast %rem3A_92 : i32 to index
        %get3A_1409 = arith.index_cast %add3A_1389 : i32 to index
        %get3A_1410 = arith.constant 32 : index
        %get3A_1411 = tpu.vector_load %arg8[%get3A_1408, %get3A_1409, %get3A_1410] {strides = array<i32>} : memref<2x256x128xf32, #tpu.memory_space<vmem>>, vector<1x1x16xf32>,
        %get3A_1412 = vector.shape_cast %get3A_1411 : vector<1x1x16xf32> to vector<16xf32>
        %mul3A_1413 = arith.mulf %broadcast_in_dim3A_1393, %get3A_1412 : vector<16xf32>
        %add3A_1414 = arith.addf %add3A_1350, %mul3A_1413 : vector<16xf32>
        %get3A_1415 = arith.index_cast %rem3A_92 : i32 to index
        %get3A_1416 = arith.index_cast %add3A_1389 : i32 to index
        %get3A_1417 = arith.constant 48 : index
        %get3A_1418 = tpu.vector_load %arg8[%get3A_1415, %get3A_1416, %get3A_1417] {strides = array<i32>} : memref<2x256x128xf32, #tpu.memory_space<vmem>>, vector<1x1x16xf32>,
        %get3A_1419 = vector.shape_cast %get3A_1418 : vector<1x1x16xf32> to vector<16xf32>
        %mul3A_1420 = arith.mulf %broadcast_in_dim3A_1393, %get3A_1419 : vector<16xf32>
        %add3A_1421 = arith.addf %add3A_1357, %mul3A_1420 : vector<16xf32>
        %get3A_1422 = arith.index_cast %rem3A_92 : i32 to index
        %get3A_1423 = arith.index_cast %add3A_1389 : i32 to index
        %get3A_1424 = arith.constant 64 : index
        %get3A_1425 = tpu.vector_load %arg8[%get3A_1422, %get3A_1423, %get3A_1424] {strides = array<i32>} : memref<2x256x128xf32, #tpu.memory_space<vmem>>, vector<1x1x16xf32>,
        %get3A_1426 = vector.shape_cast %get3A_1425 : vector<1x1x16xf32> to vector<16xf32>
        %mul3A_1427 = arith.mulf %broadcast_in_dim3A_1393, %get3A_1426 : vector<16xf32>
        %add3A_1428 = arith.addf %add3A_1364, %mul3A_1427 : vector<16xf32>
        %get3A_1429 = arith.index_cast %rem3A_92 : i32 to index
        %get3A_1430 = arith.index_cast %add3A_1389 : i32 to index
        %get3A_1431 = arith.constant 80 : index
        %get3A_1432 = tpu.vector_load %arg8[%get3A_1429, %get3A_1430, %get3A_1431] {strides = array<i32>} : memref<2x256x128xf32, #tpu.memory_space<vmem>>, vector<1x1x16xf32>,
        %get3A_1433 = vector.shape_cast %get3A_1432 : vector<1x1x16xf32> to vector<16xf32>
        %mul3A_1434 = arith.mulf %broadcast_in_dim3A_1393, %get3A_1433 : vector<16xf32>
        %add3A_1435 = arith.addf %add3A_1371, %mul3A_1434 : vector<16xf32>
        %get3A_1436 = arith.index_cast %rem3A_92 : i32 to index
        %get3A_1437 = arith.index_cast %add3A_1389 : i32 to index
        %get3A_1438 = arith.constant 96 : index
        %get3A_1439 = tpu.vector_load %arg8[%get3A_1436, %get3A_1437, %get3A_1438] {strides = array<i32>} : memref<2x256x128xf32, #tpu.memory_space<vmem>>, vector<1x1x16xf32>,
        %get3A_1440 = vector.shape_cast %get3A_1439 : vector<1x1x16xf32> to vector<16xf32>
        %mul3A_1441 = arith.mulf %broadcast_in_dim3A_1393, %get3A_1440 : vector<16xf32>
        %add3A_1442 = arith.addf %add3A_1378, %mul3A_1441 : vector<16xf32>
        %get3A_1443 = arith.index_cast %rem3A_92 : i32 to index
        %get3A_1444 = arith.index_cast %add3A_1389 : i32 to index
        %get3A_1445 = arith.constant 112 : index
        %get3A_1446 = tpu.vector_load %arg8[%get3A_1443, %get3A_1444, %get3A_1445] {strides = array<i32>} : memref<2x256x128xf32, #tpu.memory_space<vmem>>, vector<1x1x16xf32>,
        %get3A_1447 = vector.shape_cast %get3A_1446 : vector<1x1x16xf32> to vector<16xf32>
        %mul3A_1448 = arith.mulf %broadcast_in_dim3A_1393, %get3A_1447 : vector<16xf32>
        %add3A_1449 = arith.addf %add3A_1385, %mul3A_1448 : vector<16xf32>
        %broadcast_in_dim3A_1450 = arith.constant 5.000000e-01 : f32
        %broadcast_in_dim3A_1451 = vector.broadcast %broadcast_in_dim3A_1450 : f32 to vector<16xf32>
        %broadcast_in_dim3A_1452 = vector.broadcast %add3A_1392 : f32 to vector<16xf32>
        %max3A_1453 = arith.constant 1.000000e+00 : f32
        %max3A_1454 = vector.broadcast %max3A_1453 : f32 to vector<16xf32>
        %max3A_1455 = arith.maximumf %broadcast_in_dim3A_1452, %max3A_1454 : vector<16xf32>
        %div3A_1456 = arith.divf %broadcast_in_dim3A_1451, %max3A_1455 : vector<16xf32>
        %get3A_1457 = arith.index_cast %rem3A_92 : i32 to index
        %get3A_1458 = arith.index_cast %add3A_934 : i32 to index
        %get3A_1459 = arith.constant 0 : index
        %get3A_1460 = tpu.vector_load %arg10[%get3A_1457, %get3A_1458, %get3A_1459] {strides = array<i32>} : memref<2x32x128xf32, #tpu.memory_space<vmem>>, vector<1x1x16xf32>,
        %get3A_1461 = vector.shape_cast %get3A_1460 : vector<1x1x16xf32> to vector<16xf32>
        %mul3A_1462 = arith.mulf %div3A_1456, %add3A_1400 : vector<16xf32>
        %add3A_1463 = arith.addf %get3A_1461, %mul3A_1462 : vector<16xf32>
        %swap3A_1464 = arith.index_cast %rem3A_92 : i32 to index
        %swap3A_1465 = arith.index_cast %add3A_934 : i32 to index
        %swap3A_1466 = arith.constant 0 : index
        %swap3A_1467 = tpu.vector_load %arg11[%swap3A_1464, %swap3A_1465, %swap3A_1466] {strides = array<i32>} : memref<2x32x128xf32, #tpu.memory_space<vmem>>, vector<1x1x16xf32>,
        %swap3A_1468 = vector.shape_cast %swap3A_1467 : vector<1x1x16xf32> to vector<16xf32>
        %swap3A_1469 = vector.shape_cast %add3A_1463 : vector<16xf32> to vector<1x1x16xf32>
        tpu.vector_store %arg11[%swap3A_1464, %swap3A_1465, %swap3A_1466], %swap3A_1469 {strides = array<i32>} : memref<2x32x128xf32, #tpu.memory_space<vmem>>, vector<1x1x16xf32>,
        %add3A_1470 = arith.addf %add3A_832, %add3A_1463 : vector<16xf32>
        %get3A_1471 = arith.index_cast %rem3A_92 : i32 to index
        %get3A_1472 = arith.index_cast %add3A_934 : i32 to index
        %get3A_1473 = arith.constant 16 : index
        %get3A_1474 = tpu.vector_load %arg10[%get3A_1471, %get3A_1472, %get3A_1473] {strides = array<i32>} : memref<2x32x128xf32, #tpu.memory_space<vmem>>, vector<1x1x16xf32>,
        %get3A_1475 = vector.shape_cast %get3A_1474 : vector<1x1x16xf32> to vector<16xf32>
        %mul3A_1476 = arith.mulf %div3A_1456, %add3A_1407 : vector<16xf32>
        %add3A_1477 = arith.addf %get3A_1475, %mul3A_1476 : vector<16xf32>
        %swap3A_1478 = arith.index_cast %rem3A_92 : i32 to index
        %swap3A_1479 = arith.index_cast %add3A_934 : i32 to index
        %swap3A_1480 = arith.constant 16 : index
        %swap3A_1481 = tpu.vector_load %arg11[%swap3A_1478, %swap3A_1479, %swap3A_1480] {strides = array<i32>} : memref<2x32x128xf32, #tpu.memory_space<vmem>>, vector<1x1x16xf32>,
        %swap3A_1482 = vector.shape_cast %swap3A_1481 : vector<1x1x16xf32> to vector<16xf32>
        %swap3A_1483 = vector.shape_cast %add3A_1477 : vector<16xf32> to vector<1x1x16xf32>
        tpu.vector_store %arg11[%swap3A_1478, %swap3A_1479, %swap3A_1480], %swap3A_1483 {strides = array<i32>} : memref<2x32x128xf32, #tpu.memory_space<vmem>>, vector<1x1x16xf32>,
        %add3A_1484 = arith.addf %add3A_846, %add3A_1477 : vector<16xf32>
        %get3A_1485 = arith.index_cast %rem3A_92 : i32 to index
        %get3A_1486 = arith.index_cast %add3A_934 : i32 to index
        %get3A_1487 = arith.constant 32 : index
        %get3A_1488 = tpu.vector_load %arg10[%get3A_1485, %get3A_1486, %get3A_1487] {strides = array<i32>} : memref<2x32x128xf32, #tpu.memory_space<vmem>>, vector<1x1x16xf32>,
        %get3A_1489 = vector.shape_cast %get3A_1488 : vector<1x1x16xf32> to vector<16xf32>
        %mul3A_1490 = arith.mulf %div3A_1456, %add3A_1414 : vector<16xf32>
        %add3A_1491 = arith.addf %get3A_1489, %mul3A_1490 : vector<16xf32>
        %swap3A_1492 = arith.index_cast %rem3A_92 : i32 to index
        %swap3A_1493 = arith.index_cast %add3A_934 : i32 to index
        %swap3A_1494 = arith.constant 32 : index
        %swap3A_1495 = tpu.vector_load %arg11[%swap3A_1492, %swap3A_1493, %swap3A_1494] {strides = array<i32>} : memref<2x32x128xf32, #tpu.memory_space<vmem>>, vector<1x1x16xf32>,
        %swap3A_1496 = vector.shape_cast %swap3A_1495 : vector<1x1x16xf32> to vector<16xf32>
        %swap3A_1497 = vector.shape_cast %add3A_1491 : vector<16xf32> to vector<1x1x16xf32>
        tpu.vector_store %arg11[%swap3A_1492, %swap3A_1493, %swap3A_1494], %swap3A_1497 {strides = array<i32>} : memref<2x32x128xf32, #tpu.memory_space<vmem>>, vector<1x1x16xf32>,
        %add3A_1498 = arith.addf %add3A_860, %add3A_1491 : vector<16xf32>
        %get3A_1499 = arith.index_cast %rem3A_92 : i32 to index
        %get3A_1500 = arith.index_cast %add3A_934 : i32 to index
        %get3A_1501 = arith.constant 48 : index
        %get3A_1502 = tpu.vector_load %arg10[%get3A_1499, %get3A_1500, %get3A_1501] {strides = array<i32>} : memref<2x32x128xf32, #tpu.memory_space<vmem>>, vector<1x1x16xf32>,
        %get3A_1503 = vector.shape_cast %get3A_1502 : vector<1x1x16xf32> to vector<16xf32>
        %mul3A_1504 = arith.mulf %div3A_1456, %add3A_1421 : vector<16xf32>
        %add3A_1505 = arith.addf %get3A_1503, %mul3A_1504 : vector<16xf32>
        %swap3A_1506 = arith.index_cast %rem3A_92 : i32 to index
        %swap3A_1507 = arith.index_cast %add3A_934 : i32 to index
        %swap3A_1508 = arith.constant 48 : index
        %swap3A_1509 = tpu.vector_load %arg11[%swap3A_1506, %swap3A_1507, %swap3A_1508] {strides = array<i32>} : memref<2x32x128xf32, #tpu.memory_space<vmem>>, vector<1x1x16xf32>,
        %swap3A_1510 = vector.shape_cast %swap3A_1509 : vector<1x1x16xf32> to vector<16xf32>
        %swap3A_1511 = vector.shape_cast %add3A_1505 : vector<16xf32> to vector<1x1x16xf32>
        tpu.vector_store %arg11[%swap3A_1506, %swap3A_1507, %swap3A_1508], %swap3A_1511 {strides = array<i32>} : memref<2x32x128xf32, #tpu.memory_space<vmem>>, vector<1x1x16xf32>,
        %add3A_1512 = arith.addf %add3A_874, %add3A_1505 : vector<16xf32>
        %get3A_1513 = arith.index_cast %rem3A_92 : i32 to index
        %get3A_1514 = arith.index_cast %add3A_934 : i32 to index
        %get3A_1515 = arith.constant 64 : index
        %get3A_1516 = tpu.vector_load %arg10[%get3A_1513, %get3A_1514, %get3A_1515] {strides = array<i32>} : memref<2x32x128xf32, #tpu.memory_space<vmem>>, vector<1x1x16xf32>,
        %get3A_1517 = vector.shape_cast %get3A_1516 : vector<1x1x16xf32> to vector<16xf32>
        %mul3A_1518 = arith.mulf %div3A_1456, %add3A_1428 : vector<16xf32>
        %add3A_1519 = arith.addf %get3A_1517, %mul3A_1518 : vector<16xf32>
        %swap3A_1520 = arith.index_cast %rem3A_92 : i32 to index
        %swap3A_1521 = arith.index_cast %add3A_934 : i32 to index
        %swap3A_1522 = arith.constant 64 : index
        %swap3A_1523 = tpu.vector_load %arg11[%swap3A_1520, %swap3A_1521, %swap3A_1522] {strides = array<i32>} : memref<2x32x128xf32, #tpu.memory_space<vmem>>, vector<1x1x16xf32>,
        %swap3A_1524 = vector.shape_cast %swap3A_1523 : vector<1x1x16xf32> to vector<16xf32>
        %swap3A_1525 = vector.shape_cast %add3A_1519 : vector<16xf32> to vector<1x1x16xf32>
        tpu.vector_store %arg11[%swap3A_1520, %swap3A_1521, %swap3A_1522], %swap3A_1525 {strides = array<i32>} : memref<2x32x128xf32, #tpu.memory_space<vmem>>, vector<1x1x16xf32>,
        %add3A_1526 = arith.addf %add3A_888, %add3A_1519 : vector<16xf32>
        %get3A_1527 = arith.index_cast %rem3A_92 : i32 to index
        %get3A_1528 = arith.index_cast %add3A_934 : i32 to index
        %get3A_1529 = arith.constant 80 : index
        %get3A_1530 = tpu.vector_load %arg10[%get3A_1527, %get3A_1528, %get3A_1529] {strides = array<i32>} : memref<2x32x128xf32, #tpu.memory_space<vmem>>, vector<1x1x16xf32>,
        %get3A_1531 = vector.shape_cast %get3A_1530 : vector<1x1x16xf32> to vector<16xf32>
        %mul3A_1532 = arith.mulf %div3A_1456, %add3A_1435 : vector<16xf32>
        %add3A_1533 = arith.addf %get3A_1531, %mul3A_1532 : vector<16xf32>
        %swap3A_1534 = arith.index_cast %rem3A_92 : i32 to index
        %swap3A_1535 = arith.index_cast %add3A_934 : i32 to index
        %swap3A_1536 = arith.constant 80 : index
        %swap3A_1537 = tpu.vector_load %arg11[%swap3A_1534, %swap3A_1535, %swap3A_1536] {strides = array<i32>} : memref<2x32x128xf32, #tpu.memory_space<vmem>>, vector<1x1x16xf32>,
        %swap3A_1538 = vector.shape_cast %swap3A_1537 : vector<1x1x16xf32> to vector<16xf32>
        %swap3A_1539 = vector.shape_cast %add3A_1533 : vector<16xf32> to vector<1x1x16xf32>
        tpu.vector_store %arg11[%swap3A_1534, %swap3A_1535, %swap3A_1536], %swap3A_1539 {strides = array<i32>} : memref<2x32x128xf32, #tpu.memory_space<vmem>>, vector<1x1x16xf32>,
        %add3A_1540 = arith.addf %add3A_902, %add3A_1533 : vector<16xf32>
        %get3A_1541 = arith.index_cast %rem3A_92 : i32 to index
        %get3A_1542 = arith.index_cast %add3A_934 : i32 to index
        %get3A_1543 = arith.constant 96 : index
        %get3A_1544 = tpu.vector_load %arg10[%get3A_1541, %get3A_1542, %get3A_1543] {strides = array<i32>} : memref<2x32x128xf32, #tpu.memory_space<vmem>>, vector<1x1x16xf32>,
        %get3A_1545 = vector.shape_cast %get3A_1544 : vector<1x1x16xf32> to vector<16xf32>
        %mul3A_1546 = arith.mulf %div3A_1456, %add3A_1442 : vector<16xf32>
        %add3A_1547 = arith.addf %get3A_1545, %mul3A_1546 : vector<16xf32>
        %swap3A_1548 = arith.index_cast %rem3A_92 : i32 to index
        %swap3A_1549 = arith.index_cast %add3A_934 : i32 to index
        %swap3A_1550 = arith.constant 96 : index
        %swap3A_1551 = tpu.vector_load %arg11[%swap3A_1548, %swap3A_1549, %swap3A_1550] {strides = array<i32>} : memref<2x32x128xf32, #tpu.memory_space<vmem>>, vector<1x1x16xf32>,
        %swap3A_1552 = vector.shape_cast %swap3A_1551 : vector<1x1x16xf32> to vector<16xf32>
        %swap3A_1553 = vector.shape_cast %add3A_1547 : vector<16xf32> to vector<1x1x16xf32>
        tpu.vector_store %arg11[%swap3A_1548, %swap3A_1549, %swap3A_1550], %swap3A_1553 {strides = array<i32>} : memref<2x32x128xf32, #tpu.memory_space<vmem>>, vector<1x1x16xf32>,
        %add3A_1554 = arith.addf %add3A_916, %add3A_1547 : vector<16xf32>
        %get3A_1555 = arith.index_cast %rem3A_92 : i32 to index
        %get3A_1556 = arith.index_cast %add3A_934 : i32 to index
        %get3A_1557 = arith.constant 112 : index
        %get3A_1558 = tpu.vector_load %arg10[%get3A_1555, %get3A_1556, %get3A_1557] {strides = array<i32>} : memref<2x32x128xf32, #tpu.memory_space<vmem>>, vector<1x1x16xf32>,
        %get3A_1559 = vector.shape_cast %get3A_1558 : vector<1x1x16xf32> to vector<16xf32>
        %mul3A_1560 = arith.mulf %div3A_1456, %add3A_1449 : vector<16xf32>
        %add3A_1561 = arith.addf %get3A_1559, %mul3A_1560 : vector<16xf32>
        %swap3A_1562 = arith.index_cast %rem3A_92 : i32 to index
        %swap3A_1563 = arith.index_cast %add3A_934 : i32 to index
        %swap3A_1564 = arith.constant 112 : index
        %swap3A_1565 = tpu.vector_load %arg11[%swap3A_1562, %swap3A_1563, %swap3A_1564] {strides = array<i32>} : memref<2x32x128xf32, #tpu.memory_space<vmem>>, vector<1x1x16xf32>,
        %swap3A_1566 = vector.shape_cast %swap3A_1565 : vector<1x1x16xf32> to vector<16xf32>
        %swap3A_1567 = vector.shape_cast %add3A_1561 : vector<16xf32> to vector<1x1x16xf32>
        tpu.vector_store %arg11[%swap3A_1562, %swap3A_1563, %swap3A_1564], %swap3A_1567 {strides = array<i32>} : memref<2x32x128xf32, #tpu.memory_space<vmem>>, vector<1x1x16xf32>,
        %add3A_1568 = arith.addf %add3A_930, %add3A_1561 : vector<16xf32>
        scf.yield %add3A_1470, %add3A_1484, %add3A_1498, %add3A_1512, %add3A_1526, %add3A_1540, %add3A_1554, %add3A_1568 : vector<16xf32>, vector<16xf32>, vector<16xf32>, vector<16xf32>, vector<16xf32>, vector<16xf32>, vector<16xf32>, vector<16xf32>
      }
      %scan3A_164 = arith.constant 16 : i32
      %get3A = arith.index_cast %scan3A_89 : i32 to index
      %get3A_165 = arith.constant 0 : index
      %get3A_166 = tpu.vector_load %arg12[%get3A, %get3A_165] {strides = array<i32>} : memref<32x128xf32, #tpu.memory_space<vmem>>, vector<1x16xf32>,
      %get3A_167 = vector.shape_cast %get3A_166 : vector<1x16xf32> to vector<16xf32>
      %mul3A_168 = arith.constant 1.562500e-02 : f32
      %mul3A_169 = vector.broadcast %mul3A_168 : f32 to vector<16xf32>
      %mul3A_170 = arith.mulf %scan3A_163#0, %mul3A_169 : vector<16xf32>
      %add3A_171 = arith.addf %get3A_167, %mul3A_170 : vector<16xf32>
      %swap3A = arith.index_cast %scan3A_89 : i32 to index
      %swap3A_172 = arith.constant 0 : index
      %swap3A_173 = tpu.vector_load %arg13[%swap3A, %swap3A_172] {strides = array<i32>} : memref<32x128xf32, #tpu.memory_space<vmem>>, vector<1x16xf32>,
      %swap3A_174 = vector.shape_cast %swap3A_173 : vector<1x16xf32> to vector<16xf32>
      %swap3A_175 = vector.shape_cast %add3A_171 : vector<16xf32> to vector<1x16xf32>
      tpu.vector_store %arg13[%swap3A, %swap3A_172], %swap3A_175 {strides = array<i32>} : memref<32x128xf32, #tpu.memory_space<vmem>>, vector<1x16xf32>,
      %get3A_176 = arith.index_cast %scan3A_89 : i32 to index
      %get3A_177 = arith.constant 16 : index
      %get3A_178 = tpu.vector_load %arg12[%get3A_176, %get3A_177] {strides = array<i32>} : memref<32x128xf32, #tpu.memory_space<vmem>>, vector<1x16xf32>,
      %get3A_179 = vector.shape_cast %get3A_178 : vector<1x16xf32> to vector<16xf32>
      %mul3A_180 = arith.constant 1.562500e-02 : f32
      %mul3A_181 = vector.broadcast %mul3A_180 : f32 to vector<16xf32>
      %mul3A_182 = arith.mulf %scan3A_163#1, %mul3A_181 : vector<16xf32>
      %add3A_183 = arith.addf %get3A_179, %mul3A_182 : vector<16xf32>
      %swap3A_184 = arith.index_cast %scan3A_89 : i32 to index
      %swap3A_185 = arith.constant 16 : index
      %swap3A_186 = tpu.vector_load %arg13[%swap3A_184, %swap3A_185] {strides = array<i32>} : memref<32x128xf32, #tpu.memory_space<vmem>>, vector<1x16xf32>,
      %swap3A_187 = vector.shape_cast %swap3A_186 : vector<1x16xf32> to vector<16xf32>
      %swap3A_188 = vector.shape_cast %add3A_183 : vector<16xf32> to vector<1x16xf32>
      tpu.vector_store %arg13[%swap3A_184, %swap3A_185], %swap3A_188 {strides = array<i32>} : memref<32x128xf32, #tpu.memory_space<vmem>>, vector<1x16xf32>,
      %get3A_189 = arith.index_cast %scan3A_89 : i32 to index
      %get3A_190 = arith.constant 32 : index
      %get3A_191 = tpu.vector_load %arg12[%get3A_189, %get3A_190] {strides = array<i32>} : memref<32x128xf32, #tpu.memory_space<vmem>>, vector<1x16xf32>,
      %get3A_192 = vector.shape_cast %get3A_191 : vector<1x16xf32> to vector<16xf32>
      %mul3A_193 = arith.constant 1.562500e-02 : f32
      %mul3A_194 = vector.broadcast %mul3A_193 : f32 to vector<16xf32>
      %mul3A_195 = arith.mulf %scan3A_163#2, %mul3A_194 : vector<16xf32>
      %add3A_196 = arith.addf %get3A_192, %mul3A_195 : vector<16xf32>
      %swap3A_197 = arith.index_cast %scan3A_89 : i32 to index
      %swap3A_198 = arith.constant 32 : index
      %swap3A_199 = tpu.vector_load %arg13[%swap3A_197, %swap3A_198] {strides = array<i32>} : memref<32x128xf32, #tpu.memory_space<vmem>>, vector<1x16xf32>,
      %swap3A_200 = vector.shape_cast %swap3A_199 : vector<1x16xf32> to vector<16xf32>
      %swap3A_201 = vector.shape_cast %add3A_196 : vector<16xf32> to vector<1x16xf32>
      tpu.vector_store %arg13[%swap3A_197, %swap3A_198], %swap3A_201 {strides = array<i32>} : memref<32x128xf32, #tpu.memory_space<vmem>>, vector<1x16xf32>,
      %get3A_202 = arith.index_cast %scan3A_89 : i32 to index
      %get3A_203 = arith.constant 48 : index
      %get3A_204 = tpu.vector_load %arg12[%get3A_202, %get3A_203] {strides = array<i32>} : memref<32x128xf32, #tpu.memory_space<vmem>>, vector<1x16xf32>,
      %get3A_205 = vector.shape_cast %get3A_204 : vector<1x16xf32> to vector<16xf32>
      %mul3A_206 = arith.constant 1.562500e-02 : f32
      %mul3A_207 = vector.broadcast %mul3A_206 : f32 to vector<16xf32>
      %mul3A_208 = arith.mulf %scan3A_163#3, %mul3A_207 : vector<16xf32>
      %add3A_209 = arith.addf %get3A_205, %mul3A_208 : vector<16xf32>
      %swap3A_210 = arith.index_cast %scan3A_89 : i32 to index
      %swap3A_211 = arith.constant 48 : index
      %swap3A_212 = tpu.vector_load %arg13[%swap3A_210, %swap3A_211] {strides = array<i32>} : memref<32x128xf32, #tpu.memory_space<vmem>>, vector<1x16xf32>,
      %swap3A_213 = vector.shape_cast %swap3A_212 : vector<1x16xf32> to vector<16xf32>
      %swap3A_214 = vector.shape_cast %add3A_209 : vector<16xf32> to vector<1x16xf32>
      tpu.vector_store %arg13[%swap3A_210, %swap3A_211], %swap3A_214 {strides = array<i32>} : memref<32x128xf32, #tpu.memory_space<vmem>>, vector<1x16xf32>,
      %get3A_215 = arith.index_cast %scan3A_89 : i32 to index
      %get3A_216 = arith.constant 64 : index
      %get3A_217 = tpu.vector_load %arg12[%get3A_215, %get3A_216] {strides = array<i32>} : memref<32x128xf32, #tpu.memory_space<vmem>>, vector<1x16xf32>,
      %get3A_218 = vector.shape_cast %get3A_217 : vector<1x16xf32> to vector<16xf32>
      %mul3A_219 = arith.constant 1.562500e-02 : f32
      %mul3A_220 = vector.broadcast %mul3A_219 : f32 to vector<16xf32>
      %mul3A_221 = arith.mulf %scan3A_163#4, %mul3A_220 : vector<16xf32>
      %add3A_222 = arith.addf %get3A_218, %mul3A_221 : vector<16xf32>
      %swap3A_223 = arith.index_cast %scan3A_89 : i32 to index
      %swap3A_224 = arith.constant 64 : index
      %swap3A_225 = tpu.vector_load %arg13[%swap3A_223, %swap3A_224] {strides = array<i32>} : memref<32x128xf32, #tpu.memory_space<vmem>>, vector<1x16xf32>,
      %swap3A_226 = vector.shape_cast %swap3A_225 : vector<1x16xf32> to vector<16xf32>
      %swap3A_227 = vector.shape_cast %add3A_222 : vector<16xf32> to vector<1x16xf32>
      tpu.vector_store %arg13[%swap3A_223, %swap3A_224], %swap3A_227 {strides = array<i32>} : memref<32x128xf32, #tpu.memory_space<vmem>>, vector<1x16xf32>,
      %get3A_228 = arith.index_cast %scan3A_89 : i32 to index
      %get3A_229 = arith.constant 80 : index
      %get3A_230 = tpu.vector_load %arg12[%get3A_228, %get3A_229] {strides = array<i32>} : memref<32x128xf32, #tpu.memory_space<vmem>>, vector<1x16xf32>,
      %get3A_231 = vector.shape_cast %get3A_230 : vector<1x16xf32> to vector<16xf32>
      %mul3A_232 = arith.constant 1.562500e-02 : f32
      %mul3A_233 = vector.broadcast %mul3A_232 : f32 to vector<16xf32>
      %mul3A_234 = arith.mulf %scan3A_163#5, %mul3A_233 : vector<16xf32>
      %add3A_235 = arith.addf %get3A_231, %mul3A_234 : vector<16xf32>
      %swap3A_236 = arith.index_cast %scan3A_89 : i32 to index
      %swap3A_237 = arith.constant 80 : index
      %swap3A_238 = tpu.vector_load %arg13[%swap3A_236, %swap3A_237] {strides = array<i32>} : memref<32x128xf32, #tpu.memory_space<vmem>>, vector<1x16xf32>,
      %swap3A_239 = vector.shape_cast %swap3A_238 : vector<1x16xf32> to vector<16xf32>
      %swap3A_240 = vector.shape_cast %add3A_235 : vector<16xf32> to vector<1x16xf32>
      tpu.vector_store %arg13[%swap3A_236, %swap3A_237], %swap3A_240 {strides = array<i32>} : memref<32x128xf32, #tpu.memory_space<vmem>>, vector<1x16xf32>,
      %get3A_241 = arith.index_cast %scan3A_89 : i32 to index
      %get3A_242 = arith.constant 96 : index
      %get3A_243 = tpu.vector_load %arg12[%get3A_241, %get3A_242] {strides = array<i32>} : memref<32x128xf32, #tpu.memory_space<vmem>>, vector<1x16xf32>,
      %get3A_244 = vector.shape_cast %get3A_243 : vector<1x16xf32> to vector<16xf32>
      %mul3A_245 = arith.constant 1.562500e-02 : f32
      %mul3A_246 = vector.broadcast %mul3A_245 : f32 to vector<16xf32>
      %mul3A_247 = arith.mulf %scan3A_163#6, %mul3A_246 : vector<16xf32>
      %add3A_248 = arith.addf %get3A_244, %mul3A_247 : vector<16xf32>
      %swap3A_249 = arith.index_cast %scan3A_89 : i32 to index
      %swap3A_250 = arith.constant 96 : index
      %swap3A_251 = tpu.vector_load %arg13[%swap3A_249, %swap3A_250] {strides = array<i32>} : memref<32x128xf32, #tpu.memory_space<vmem>>, vector<1x16xf32>,
      %swap3A_252 = vector.shape_cast %swap3A_251 : vector<1x16xf32> to vector<16xf32>
      %swap3A_253 = vector.shape_cast %add3A_248 : vector<16xf32> to vector<1x16xf32>
      tpu.vector_store %arg13[%swap3A_249, %swap3A_250], %swap3A_253 {strides = array<i32>} : memref<32x128xf32, #tpu.memory_space<vmem>>, vector<1x16xf32>,
      %get3A_254 = arith.index_cast %scan3A_89 : i32 to index
      %get3A_255 = arith.constant 112 : index
      %get3A_256 = tpu.vector_load %arg12[%get3A_254, %get3A_255] {strides = array<i32>} : memref<32x128xf32, #tpu.memory_space<vmem>>, vector<1x16xf32>,
      %get3A_257 = vector.shape_cast %get3A_256 : vector<1x16xf32> to vector<16xf32>
      %mul3A_258 = arith.constant 1.562500e-02 : f32
      %mul3A_259 = vector.broadcast %mul3A_258 : f32 to vector<16xf32>
      %mul3A_260 = arith.mulf %scan3A_163#7, %mul3A_259 : vector<16xf32>
      %add3A_261 = arith.addf %get3A_257, %mul3A_260 : vector<16xf32>
      %swap3A_262 = arith.index_cast %scan3A_89 : i32 to index
      %swap3A_263 = arith.constant 112 : index
      %swap3A_264 = tpu.vector_load %arg13[%swap3A_262, %swap3A_263] {strides = array<i32>} : memref<32x128xf32, #tpu.memory_space<vmem>>, vector<1x16xf32>,
      %swap3A_265 = vector.shape_cast %swap3A_264 : vector<1x16xf32> to vector<16xf32>
      %swap3A_266 = vector.shape_cast %add3A_261 : vector<16xf32> to vector<1x16xf32>
      tpu.vector_store %arg13[%swap3A_262, %swap3A_263], %swap3A_266 {strides = array<i32>} : memref<32x128xf32, #tpu.memory_space<vmem>>, vector<1x16xf32>,
      %mul3A_267 = arith.constant 32 : i32
      %mul3A_268 = arith.muli %add3A_94, %mul3A_267 : i32
      %dma_start3A_269 = arith.constant 0 : i32
      %dma_start3A_270 = arith.constant 0 : i32
      %dma_start3A_271 = tpu.memref_slice %arg11[%rem3A_92, %dma_start3A_269, %dma_start3A_270] : memref<2x32x128xf32, #tpu.memory_space<vmem>> -> memref<1x32x128xf32, #tpu.memory_space<vmem>>
      %dma_start3A_272 = tpu.memref_squeeze %dma_start3A_271 : memref<1x32x128xf32, #tpu.memory_space<vmem>> -> memref<32x128xf32, #tpu.memory_space<vmem>>
      %dma_start3A_273 = arith.constant 0 : i32
      %dma_start3A_274 = tpu.memref_slice %arg7[%mul3A_268, %dma_start3A_273] : memref<32768x128xf32, #tpu.memory_space<hbm>> -> memref<32x128xf32, #tpu.memory_space<hbm>>
      %dma_start3A_275 = arith.constant 0 : i32
      %dma_start3A_276 = tpu.memref_slice %arg7[%mul3A_268, %dma_start3A_275] : memref<32768x128xf32, #tpu.memory_space<hbm>> -> memref<32x128xf32, #tpu.memory_space<hbm>>
      %dma_start3A_277 = arith.constant 0 : i32
      %dma_start3A_278 = arith.constant 0 : i32
      %dma_start3A_279 = tpu.memref_slice %arg11[%rem3A_92, %dma_start3A_277, %dma_start3A_278] : memref<2x32x128xf32, #tpu.memory_space<vmem>> -> memref<1x32x128xf32, #tpu.memory_space<vmem>>
      %dma_start3A_280 = tpu.memref_squeeze %dma_start3A_279 : memref<1x32x128xf32, #tpu.memory_space<vmem>> -> memref<32x128xf32, #tpu.memory_space<vmem>>
      tpu.enqueue_dma source(%dma_start3A_280 : memref<32x128xf32, #tpu.memory_space<vmem>>) target(%dma_start3A_276 : memref<32x128xf32, #tpu.memory_space<hbm>>) target_semaphore(%arg16 : memref<!tpu.dma_semaphore, #tpu.memory_space<semaphore_mem>>)
      %scan3A_281 = arith.constant 0 : i32
      scf.yield %scan3A_281 : i32
    }
    %scan3A_52 = arith.constant 32 : i32
    %rem3A = arith.constant 30 : i32
    %rem3A_53 = arith.constant 2 : i32
    %rem3A_54 = arith.remsi %rem3A, %rem3A_53 : i32
    %add3A_55 = arith.constant 30 : i32
    %add3A_56 = arith.addi %mul3A_2, %add3A_55 : i32
    %mul3A_57 = arith.constant 32 : i32
    %mul3A_58 = arith.muli %add3A_56, %mul3A_57 : i32
    %dma_wait3A = arith.constant 0 : i32
    %dma_wait3A_59 = arith.constant 0 : i32
    %dma_wait3A_60 = tpu.memref_slice %arg11[%rem3A_54, %dma_wait3A, %dma_wait3A_59] : memref<2x32x128xf32, #tpu.memory_space<vmem>> -> memref<1x32x128xf32, #tpu.memory_space<vmem>>
    %dma_wait3A_61 = tpu.memref_squeeze %dma_wait3A_60 : memref<1x32x128xf32, #tpu.memory_space<vmem>> -> memref<32x128xf32, #tpu.memory_space<vmem>>
    %dma_wait3A_62 = arith.constant 0 : i32
    %dma_wait3A_63 = tpu.memref_slice %arg7[%mul3A_58, %dma_wait3A_62] : memref<32768x128xf32, #tpu.memory_space<hbm>> -> memref<32x128xf32, #tpu.memory_space<hbm>>
    %dma_wait3A_64 = arith.constant 0 : i32
    %dma_wait3A_65 = tpu.memref_slice %arg7[%mul3A_58, %dma_wait3A_64] : memref<32768x128xf32, #tpu.memory_space<hbm>> -> memref<32x128xf32, #tpu.memory_space<hbm>>
    %dma_wait3A_66 = arith.constant 0 : i32
    %dma_wait3A_67 = arith.constant 0 : i32
    %dma_wait3A_68 = tpu.memref_slice %arg11[%rem3A_54, %dma_wait3A_66, %dma_wait3A_67] : memref<2x32x128xf32, #tpu.memory_space<vmem>> -> memref<1x32x128xf32, #tpu.memory_space<vmem>>
    %dma_wait3A_69 = tpu.memref_squeeze %dma_wait3A_68 : memref<1x32x128xf32, #tpu.memory_space<vmem>> -> memref<32x128xf32, #tpu.memory_space<vmem>>
    tpu.wait_dma2 semaphore(%arg16 : memref<!tpu.dma_semaphore, #tpu.memory_space<semaphore_mem>>) src(%dma_wait3A_69 : memref<32x128xf32, #tpu.memory_space<vmem>>) dst(%dma_wait3A_65 : memref<32x128xf32, #tpu.memory_space<hbm>>)
    %rem3A_70 = arith.constant 31 : i32
    %rem3A_71 = arith.constant 2 : i32
    %rem3A_72 = arith.remsi %rem3A_70, %rem3A_71 : i32
    %add3A_73 = arith.constant 31 : i32
    %add3A_74 = arith.addi %mul3A_2, %add3A_73 : i32
    %mul3A_75 = arith.constant 32 : i32
    %mul3A_76 = arith.muli %add3A_74, %mul3A_75 : i32
    %dma_wait3A_77 = arith.constant 0 : i32
    %dma_wait3A_78 = arith.constant 0 : i32
    %dma_wait3A_79 = tpu.memref_slice %arg11[%rem3A_72, %dma_wait3A_77, %dma_wait3A_78] : memref<2x32x128xf32, #tpu.memory_space<vmem>> -> memref<1x32x128xf32, #tpu.memory_space<vmem>>
    %dma_wait3A_80 = tpu.memref_squeeze %dma_wait3A_79 : memref<1x32x128xf32, #tpu.memory_space<vmem>> -> memref<32x128xf32, #tpu.memory_space<vmem>>
    %dma_wait3A_81 = arith.constant 0 : i32
    %dma_wait3A_82 = tpu.memref_slice %arg7[%mul3A_76, %dma_wait3A_81] : memref<32768x128xf32, #tpu.memory_space<hbm>> -> memref<32x128xf32, #tpu.memory_space<hbm>>
    %dma_wait3A_83 = arith.constant 0 : i32
    %dma_wait3A_84 = tpu.memref_slice %arg7[%mul3A_76, %dma_wait3A_83] : memref<32768x128xf32, #tpu.memory_space<hbm>> -> memref<32x128xf32, #tpu.memory_space<hbm>>
    %dma_wait3A_85 = arith.constant 0 : i32
    %dma_wait3A_86 = arith.constant 0 : i32
    %dma_wait3A_87 = tpu.memref_slice %arg11[%rem3A_72, %dma_wait3A_85, %dma_wait3A_86] : memref<2x32x128xf32, #tpu.memory_space<vmem>> -> memref<1x32x128xf32, #tpu.memory_space<vmem>>
    %dma_wait3A_88 = tpu.memref_squeeze %dma_wait3A_87 : memref<1x32x128xf32, #tpu.memory_space<vmem>> -> memref<32x128xf32, #tpu.memory_space<vmem>>
    tpu.wait_dma2 semaphore(%arg16 : memref<!tpu.dma_semaphore, #tpu.memory_space<semaphore_mem>>) src(%dma_wait3A_88 : memref<32x128xf32, #tpu.memory_space<vmem>>) dst(%dma_wait3A_84 : memref<32x128xf32, #tpu.memory_space<hbm>>)
    "tpu.region"() ({
      %run_scoped3A = tpu.sem_alloc : memref<!tpu.dma_semaphore, #tpu.memory_space<semaphore_mem>>
      %dma_start3A_89 = arith.constant 0 : i32
      %dma_start3A_90 = tpu.memref_slice %arg6[%mul3A_2, %dma_start3A_89] : memref<1024x128xf32, #tpu.memory_space<hbm>> -> memref<32x128xf32, #tpu.memory_space<hbm>>
      %dma_start3A_91 = arith.constant 0 : i32
      %dma_start3A_92 = tpu.memref_slice %arg6[%mul3A_2, %dma_start3A_91] : memref<1024x128xf32, #tpu.memory_space<hbm>> -> memref<32x128xf32, #tpu.memory_space<hbm>>
      tpu.enqueue_dma source(%arg13 : memref<32x128xf32, #tpu.memory_space<vmem>>) target(%dma_start3A_92 : memref<32x128xf32, #tpu.memory_space<hbm>>) target_semaphore(%run_scoped3A : memref<!tpu.dma_semaphore, #tpu.memory_space<semaphore_mem>>)
      %dma_wait3A_93 = arith.constant 0 : i32
      %dma_wait3A_94 = tpu.memref_slice %arg6[%mul3A_2, %dma_wait3A_93] : memref<1024x128xf32, #tpu.memory_space<hbm>> -> memref<32x128xf32, #tpu.memory_space<hbm>>
      %dma_wait3A_95 = arith.constant 0 : i32
      %dma_wait3A_96 = tpu.memref_slice %arg6[%mul3A_2, %dma_wait3A_95] : memref<1024x128xf32, #tpu.memory_space<hbm>> -> memref<32x128xf32, #tpu.memory_space<hbm>>
      tpu.wait_dma2 semaphore(%run_scoped3A : memref<!tpu.dma_semaphore, #tpu.memory_space<semaphore_mem>>) src(%arg13 : memref<32x128xf32, #tpu.memory_space<vmem>>) dst(%dma_wait3A_96 : memref<32x128xf32, #tpu.memory_space<hbm>>)
      tpu.yield
    }) : () -> ()
    return
  }
}

</mosaic_0001>

<sc_bundles>
// kernel: kernel.3.cloned.1.call-start
scs
__scs_entry_jumppad:
0x0: {  	(pc) =	sbr.rel $0x88, $3  }
0x1: {  	(tag) =	ssettag $0x0;
	lr =	simm.s32 $0x1  }
0x2: {  	[smem:$0x3F9D] =	sst lr;
	_ =	strace $0xD0000000  }
0x3: {  	_ = 	snop  }
0x4: {  	_ = 	snop  }
0x5: {  	_ = 	snop  }
0x6: {  	_ = 	snop  }
0x7: {  	_ = 	snop  }
__scs_overlays_trampoline_lowered:
0x8: {  	[smem:$0x3FAC] =	sst s0  }
0x9: {  	[smem:$0x3FAD] =	sst s1  }
0xa: {  	[smem:$0x3FAE] =	sst s2  }
0xb: {  	[smem:$0x3FAF] =	sst s3  }
0xc: {  	[smem:$0x3FB0] =	sst s4  }
0xd: {  	[smem:$0x3FB1] =	sst s5  }
0xe: {  	[smem:$0x3FB2] =	sst s6  }
0xf: {  	[smem:$0x3FB3] =	sst s7  }
0x10: {  	[smem:$0x3FB4] =	sst s8  }
0x11: {  	[smem:$0x3FB5] =	sst s9;
	s0 =	simm.s32 @!p0 $0x0  }
0x12: {  	s1 =	sld [smem:$0x3F9B];
	s0 =	simm.s32 @p0 $0x1  }
0x13: {  	[smem:$0x3FB6] =	sst s0;
	s0 =	simm.s32 @!p1 $0x0  }
0x14: {  	s2 =	sld [smem:$0x3F9A];
	s0 =	simm.s32 @p1 $0x1  }
0x15: {  	[smem:$0x3FB7] =	sst s0;
	s0 =	simm.s32 @!p2 $0x0  }
0x16: {  	s3 =	sld [smem:$0x3FDB];
	s0 =	simm.s32 @p2 $0x1  }
0x17: {  	s4 =	simm.s32 $0x1BF5;
	[smem:$0x3FB9] =	sst s0  }
0x18: {  	s0 =	sld [smem:$0x3F9C];
	_ =	swait.ge [sflag:s4], $0x0  }
0x19: {  	s7 =	sld [smem:$0x3F9D]  }
0x1a: {  	s8 =	sadd.s32 $0xFFFFE003, lr  }
0x1b: {  	s9 =	sadd.s32 $0xFFFFFEF7, lr;
	s5 =	simm.s32 $0xFFFFFFFF;
	p2 =	slt.u32 s8, $0xFFFFF086  }
0x1c: {  	p1 =	slt.u32 s9, $0xF7A;
	s5 =	simm.s32 @!p2 $0x0  }
0x1d: {  	s5 =	simm.s32 @p1 $0x1;
	p0 =	seq.s32 s7, s2  }
0x1e: {  	s7 =	smul.u32 @!p0 $0xF7A, s2;
	p2 =	seq.s32 @!p0 s5, $0x0  }
0x1f: {  	s9 =	smul.u32 $0xF7A, s1;
	s8 =	simm.s32 @!p0 $0x1BF5;
	p2 =	por !p2, p0  }
0x20: {  	[sflag:s8] =	ssyncset.s32 @!p0 $0xFFFFF086;
	s6 =	sadd.s32 @!p0 s3, s7;
	s7 =	simm.s32 @!p0 $0x108  }
0x21: {  	s3 =	sadd.s32 s3, s9;
	s6 =	sadd.s32 @!p0 $0x88, s6;
	s7 =	simm.s32 @p2 $0x1082  }
0x22: {  	[simem:s7], [sflag:s8] =	dma.local @!p0 [hbm:s6], $0xF7A  }
0x23: {  	s9 =	sor.u32 $0xD0000000, s2;
	s6 =	simm.s32 $0x108;
	_ =	swait.ge @!p0 [sflag:s8], $0x0  }
0x24: {  	s3 =	sadd.s32 $0x88, s3;
	s6 =	simm.s32 @!p1 $0x1082;
	[sflag:s4] =	ssyncset.s32 $0xFFFFF086  }
0x25: {  	[simem:s6], [sflag:s4] =	dma.local [hbm:s3], $0xF7A  }
0x26: {  	[smem:$0x3F9D] =	sst s1;
	(tag) =	ssettag s2;
	_ =	strace s9  }
0x27: {  	s1 =	sld [smem:$0x3FAD]  }
0x28: {  	s2 =	sld [smem:$0x3FAE]  }
0x29: {  	s4 =	sld [smem:$0x3FB0]  }
0x2a: {  	p0 =	seq.s32 s5, $0x0;
	s5 =	sld [smem:$0x3FB1]  }
0x2b: {  	s6 =	sld [smem:$0x3FB2]  }
0x2c: {  	s7 =	sld [smem:$0x3FB3]  }
0x2d: {  	s3 =	simm.s32 $0x108;
	s8 =	sld [smem:$0x3FB4]  }
0x2e: {  	s3 =	simm.s32 @!p0 $0x1082;
	s9 =	sld [smem:$0x3FB5]  }
0x2f: {  	lr =	sadd.s32 s0, s3;
	s0 =	sld [smem:$0x3FAC]  }
0x30: {  	s3 =	sld [smem:$0x3FAF]  }
0x31: {  	[smem:$0x3FB8] =	sst s10  }
0x32: {  	s10 =	sld [smem:$0x3FB6];
	_ =	sdelay $0x3  }
0x33: {  	p0 =	seq.s32 s10, $0x1;
	s10 =	sld [smem:$0x3FB8];
	_ =	sdelay $0x3  }
0x34: {  	[smem:$0x3FB8] =	sst s10  }
0x35: {  	s10 =	sld [smem:$0x3FB7];
	_ =	sdelay $0x3  }
0x36: {  	p1 =	seq.s32 s10, $0x1;
	s10 =	sld [smem:$0x3FB8];
	_ =	sdelay $0x3  }
0x37: {  	[smem:$0x3FB8] =	sst s10  }
0x38: {  	s10 =	sld [smem:$0x3FB9]  }
0x39: {  	_ = 	snop;
	(pc) =	sbr.ind lr, $3  }
0x3a: {  	_ = 	snop  }
0x3b: {  	_ = 	snop  }
0x3c: {  	p2 =	seq.s32 s10, $0x1;
	s10 =	sld [smem:$0x3FB8]  }
0x3d: {  	_ =	shalt  }
0x3e: {  	_ =	shalt  }
0x3f: {  	_ =	shalt  }
0x40: {  	_ =	shalt  }
0x41: {  	_ =	shalt  }
0x42: {  	_ =	shalt  }
0x43: {  	_ =	shalt  }
0x44: {  	_ =	shalt  }
0x45: {  	_ =	shalt  }
0x46: {  	_ =	shalt  }
0x47: {  	_ =	shalt  }
0x48: {  	_ =	shalt  }
0x49: {  	_ =	shalt  }
0x4a: {  	_ =	shalt  }
0x4b: {  	_ =	shalt  }
0x4c: {  	_ =	shalt  }
0x4d: {  	_ =	shalt  }
0x4e: {  	_ =	shalt  }
0x4f: {  	_ =	shalt  }
0x50: {  	_ =	shalt  }
0x51: {  	_ =	shalt  }
0x52: {  	_ =	shalt  }
0x53: {  	_ =	shalt  }
0x54: {  	_ =	shalt  }
0x55: {  	_ =	shalt  }
0x56: {  	_ =	shalt  }
0x57: {  	_ =	shalt  }
0x58: {  	_ =	shalt  }
0x59: {  	_ =	shalt  }
0x5a: {  	_ =	shalt  }
0x5b: {  	_ =	shalt  }
0x5c: {  	_ =	shalt  }
0x5d: {  	_ =	shalt  }
0x5e: {  	_ =	shalt  }
0x5f: {  	_ =	shalt  }
0x60: {  	_ =	shalt  }
0x61: {  	_ =	shalt  }
0x62: {  	_ =	shalt  }
0x63: {  	_ =	shalt  }
0x64: {  	_ =	shalt  }
0x65: {  	_ =	shalt  }
0x66: {  	_ =	shalt  }
0x67: {  	_ =	shalt  }
0x68: {  	_ =	shalt  }
0x69: {  	_ =	shalt  }
0x6a: {  	_ =	shalt  }
0x6b: {  	_ =	shalt  }
0x6c: {  	_ =	shalt  }
0x6d: {  	_ =	shalt  }
0x6e: {  	_ =	shalt  }
0x6f: {  	_ =	shalt  }
0x70: {  	_ =	shalt  }
0x71: {  	_ =	shalt  }
0x72: {  	_ =	shalt  }
0x73: {  	_ =	shalt  }
0x74: {  	_ =	shalt  }
0x75: {  	_ =	shalt  }
0x76: {  	_ =	shalt  }
0x77: {  	_ =	shalt  }
0x78: {  	_ =	shalt  }
0x79: {  	_ =	shalt  }
0x7a: {  	_ =	shalt  }
0x7b: {  	_ =	shalt  }
0x7c: {  	_ =	shalt  }
0x7d: {  	_ =	shalt  }
0x7e: {  	_ =	shalt  }
0x7f: {  	_ =	shalt  }
0x80: {  	_ =	shalt  }
0x81: {  	_ =	shalt  }
0x82: {  	_ =	shalt  }
0x83: {  	_ =	shalt  }
0x84: {  	_ =	shalt  }
0x85: {  	_ =	shalt  }
0x86: {  	_ =	shalt  }
0x87: {  	_ =	shalt  }
.Lfunc_end0:
.L_simem_size_0:
called_computation_lowered:
.L_overlay_start_0:
0x88: {  	s2 =	sld [smem:$0x3FD9]  }
0x89: {  	s3 =	sld [smem:$0x3FFE];
	_ =	sdelay $0x1  }
0x8a: {  	s1 =	srdreg.scid  }
0x8b: {  	s0 =	sand.u32 $0x1, s1  }
0x8c: {  	s14 =	sshll.u32 s0, $0xA;
	s2 =	sadd.s32 s3, s2  }
0x8d: {  	s2 =	sadd.s32 s2, s14  }
0x8e: {  	[smem:$0x3FC4] =	sst s2  }
0x8f: {  	_ = 	snop  }
0x90: {  	s2 =	sld [smem:$0x3FD0]  }
0x91: {  	s15 =	sld [smem:$0x3FC9]  }
0x92: {  	s4 =	sld [smem:$0x3FC8]  }
0x93: {  	s6 =	simm.s32 $0xA;
	s7 =	simm.s32 $0x10;
	s5 =	sld [smem:$0x3FC7]  }
0x94: {  	[smem:s7], [sflag:s6] =	dma.local [hbm:s2], $0x1  }
0x95: {  	_ =	swait.eq [sflag:s6], $0x1  }
0x96: {  	[sflag:s6] =	ssyncset.done $0x0  }
0x97: {  	s16 =	sld [smem:$0x10];
	[sflag:s6] =	ssyncadd.s32 $0xFFFFFFFF  }
0x98: {  	s17 =	sld [smem:$0x11];
	(tm) =	ssettm $0x1  }
0x99: {  	s18 =	sld [smem:$0x3FFB];
	_ =	sdelay $0x3  }
0x9a: {  	_ =	strace s18  }
0x9b: {  	s7 =	sld [smem:$0x3FFC];
	_ =	sdelay $0x3  }
0x9c: {  	_ =	strace s7  }
0x9d: {  	s7 =	sld [smem:$0x3FFD];
	_ =	sdelay $0x3  }
0x9e: {  	_ =	strace s7  }
0x9f: {  	_ =	strace $0x8FFFFFFF  }
0xa0: {  	s19 =	sld [smem:$0x3FDB];
	_ =	sdelay $0x1  }
0xa1: {  	s8 =	simm.s32 $_scs_section_size  }
0xa2: {  	s9 =	simm.s32 $_size__tile_overlayer_lowered;
	s10 =	simm.s32 $_tile_overlayer_lowered  }
0xa3: {  	s22 =	simm.s32 $0x1BFF;
	s21 =	sshll.u32 s10, $0x1;
	s7 =	sadd.s32 s8, s19  }
0xa4: {  	s11 =	simm.s32 $0x0;
	s20 =	sshll.u32 s9, $0x1;
	s9 =	sadd.s32 s21, s7  }
0xa5: {  	[timem:s11], [sflag:s22] =	dma.local [hbm:s9], s20  }
0xa6: {  	_ =	swait.ge [sflag:s22], s20  }
0xa7: {  	s8 =	ssub.s32 $0x0, s20;
	[sflag:s22] =	ssyncset.done $0x0  }
0xa8: {  	[sflag:s22] =	ssyncadd.s32 s8;
	_ =	sdelay $0x1  }
0xa9: {  	s23 =	simm.s32 $0x1B8B  }
0xaa: {  	_ =	swait.ge [sflag:s23], $0x1  }
0xab: {  	[sflag:s23] =	ssyncset.done $0x0  }
0xac: {  	s25 =	simm.s32 $0x1B8E;
	s24 =	sld [smem:$0x3FFE];
	[sflag:s23] =	ssyncadd.s32 $0xFFFFFFFF  }
0xad: {  	s26 =	simm.s32 $execute0_lowered;
	[smem:$0x3FD2] =	sst s25  }
0xae: {  	s9 =	sshll.u32 s26, $0x1;
	_ =	strace $0x80000046;
	[dreg:$0x1] =	wrdreg $0xFFFFFFFF  }
0xaf: {  	s28 =	simm.s32 $_size_execute0_lowered;
	s7 =	sadd.s32 s7, s9;
	[dreg:$0x0] =	wrdreg $0x0  }
0xb0: {  	s9 =	sshll.u32 s28, $0x1;
	[dreg:$0x2] =	wrdreg s7  }
0xb1: {  	[dreg:$0x3] =	wrdreg s9  }
0xb2: {  	[dreg:$0x4] =	wrdreg $0xC0  }
0xb3: {  	_ =	task [dreg:s11], $0x5FFFF  }
0xb4: {  	[dreg:$0x1] =	wrdreg $0xFFFFFFFF  }
0xb5: {  	[dreg:$0x0] =	wrdreg $0x60  }
0xb6: {  	[dreg:$0x2] =	wrdreg s5  }
0xb7: {  	[dreg:$0x3] =	wrdreg s24  }
0xb8: {  	[dreg:$0x4] =	wrdreg s4  }
0xb9: {  	[dreg:$0x5] =	wrdreg s15  }
0xba: {  	[dreg:$0x6] =	wrdreg s16  }
0xbb: {  	[dreg:$0x7] =	wrdreg s17  }
0xbc: {  	[dreg:$0x8] =	wrdreg $0x9  }
0xbd: {  	_ =	task.clear_ibuf [dreg:s11], $0x9FFFF;
	_ =	strace $0x90000046  }
0xbe: {  	s29 =	simm.s32 $0x9;
	_ =	strace $0x80000048  }
0xbf: {  	_ =	swait.ge [sflag:s29], $0x1  }
0xc0: {  	[sflag:s29] =	ssyncadd.s32 $0xFFFFFFFF  }
0xc1: {  	_ =	strace $0x90000048  }
0xc2: {  	_ =	sfence  }
0xc3: {  	s30 =	sld [smem:$0x0];
	_ =	sdelay $0x2  }
0xc4: {  	s31 =	sshll.u32 s1, $0xD;
	s1 =	sshrl.u32 s1, $0x2  }
0xc5: {  	s3 =	sand.u32 $0x4000, s31;
	s1 =	sadd.s32 s1, s30  }
0xc6: {  	s0 =	sor.u32 s3, s0;
	s1 =	sshll.u32 s1, $0x11  }
0xc7: {  	s0 =	sor.u32 s1, s0  }
0xc8: {  	s0 =	sadd.s32 $0x8F2B, s0  }
0xc9: {  	[sflag:s0] =	ssyncadd.remote.s32 $0x1  }
0xca: {  	_ =	sfence.sel $0xFFFF  }
0xcb: {  	[dreg:$0x0] =	wrdreg $0xFFFFFFFF;
	(pc) =	sbr.abs _section_cstart, $3  }
0xcc: {  	[dreg:$0x1] =	wrdreg $0xFFFFFFFF  }
0xcd: {  	_ =	task.clear_ibuf [dreg:s11], $0x2FFFF;
	_ =	strace $0x9FFFFFFF  }
0xce: {  	(tm) =	ssettm $0x7FFFFFFF  }
0xcf: {  	_ =	shalt  }
tec
execute0_lowered:
.L_overlay_start_1:
0x0: {  	(tag) =	ssettag $0x1  }
0x1: {  	s1 =	rddreg [dreg:$0x0]  }
0x2: {  	s0 =	rddreg [dreg:$0x1]  }
0x3: {  	s2 =	rddreg [dreg:$0x2]  }
0x4: {  	s4 =	rddreg [dreg:$0x3]  }
0x5: {  	s12 =	rddreg [dreg:$0x4]  }
0x6: {  	s3 =	rddreg [dreg:$0x5]  }
0x7: {  	s5 =	simm.s32 $0x0;
	s6 =	srdreg.scid;
	s9 =	stileid.u32  }
0x8: {  	s15 =	simm.s32 $0x4;
	s20 =	simm.s32 $0x1;
	s21 =	simm.s32 $0x3  }
0x9: {  	s22 =	simm.s32 $0x2;
	s23 =	simm.s32 $0x15200;
	s6 =	sand.u32 $0x1, s6  }
0xa: {  	s24 =	simm.s32 $0x0;
	[smem:$0x7FF] =	sst s5;
	s7 =	ssub.s32 $0x2, s6  }
0xb: {  	s6 =	sshll.u32 s6, $0x4;
	_ =	strace $0x80000047;
	s8 =	sshrl.u32 s7, $0x1  }
0xc: {  	s10 =	sor.u32 s9, s6;
	s6 =	sadd.s32 $0x800, s0;
	s29 =	ssub.s32 s7, s8  }
0xd: {  	s13 =	sshll.u32 s10, $0x9;
	s7 =	sshll.u32 s10, $0x5;
	s30 =	sshll.u32 s10, $0x11  }
0xe: {  	s31 =	sshll.u32 s10, $0xA;
	s11 =	sshll.u32 s10, $0xE;
	s8 =	sadd.s32 s4, s13  }
0xf: {  	s9 =	sadd.s32 s1, s30;
	s10 =	sadd.s32 s6, s31;
	s11 =	sadd.s32 s2, s11  }
0x10: {  	s12 =	sadd.s32 s12, s13;
	s13 =	smax.u32 s29, $0x1;
	s17 =	sadd.s32 $0x80, s10  }
.LBB2_1:
0x11: {  	s0 =	simm.s32 $0x14200  }
0x12: {  	[tilespmem:s0], [sflag:$0x4] =	stream.linear.gather [hbm4b:s8+s5], $0x1000, $0x38;
	[tilespmem:$0x16200] =	vst v63  }
0x13: {  	_ =	swait.ge [sflag:s15], $0x1000  }
0x14: {  	[sflag:s15] =	ssyncset.done $0x0  }
0x15: {  	[sflag:s15] =	ssyncadd.s32 $0xFFFFF000  }
0x16: {  	[tilespmem:s5], [sflag:$0x1] =	stream.linear.gather [hbm4b:s9+s5], $0x8000, $0x38;
	[tilespmem:$0x16200] =	vst v63  }
0x17: {  	s29 =	simm.s32 $0x10000  }
0x18: {  	[tilespmem:s29], [sflag:$0x2] =	stream.linear.gather [hbm4b:s10+s5], $0x80, $0x38;
	[tilespmem:$0x16200] =	vst v63  }
0x19: {  	s30 =	simm.s32 $0x10100  }
0x1a: {  	[tilespmem:s30], [sflag:$0x2] =	stream.linear.gather [hbm4b:s17+s5], $0x80, $0x38;
	[tilespmem:$0x16200] =	vst v63  }
0x1b: {  	s31 =	simm.s32 $0x10200;
	p0 =	por $0x0, $0x0;
	s4 =	simm.s32 $0x0  }
0x1c: {  	[tilespmem:s31], [sflag:$0x2] =	stream.linear.gather [hbm4b:s11+s5], $0x1000, $0x38;
	[tilespmem:$0x16200] =	vst v63  }
.LBB2_2:
0x1d: {  	s25 =	sadd.s32 $0x1, s4;
	p1 =	seq.s32 s4, $0x1F  }
0x1e: {  	s0 =	sadd.s32 @!p1 s7, s25  }
0x1f: {  	s26 =	sand.u32 $0x1, s4;
	s14 =	sshll.u32 @!p1 s0, $0xC  }
0x20: {  	s28 =	sxor.u32 @!p1 $0x1, s26;
	s14 =	sand.u32 @!p1 $0x1FFFF000, s14  }
0x21: {  	s30 =	simm.s32 @!p1 $0x0;
	s29 =	sshll.u32 @!p1 s28, $0xF;
	s14 =	sadd.s32 @!p1 s1, s14  }
0x22: {  	[tilespmem:s29], [sflag:$0x1] =	stream.linear.gather @!p1 [hbm4b:s14+s30], $0x8000, $0x38;
	[tilespmem:$0x16200] =	vst v63  }
0x23: {  	s14 =	sshll.u32 @!p1 s25, $0x4  }
0x24: {  	s29 =	sshll.u32 @!p1 s0, $0x5;
	s14 =	sand.u32 @!p1 $0x70, s14  }
0x25: {  	s31 =	sshll.u32 @!p1 s28, $0x7;
	s29 =	sand.u32 @!p1 $0xFFFFF00, s29;
	s14 =	sadd.s32 @!p1 s6, s14  }
0x26: {  	s16 =	sor.u32 @!p1 $0x10000, s31;
	s14 =	sadd.s32 @!p1 s29, s14  }
0x27: {  	[tilespmem:s16], [sflag:$0x2] =	stream.linear.gather @!p1 [hbm4b:s14+s30], $0x80, $0x38;
	[tilespmem:$0x16200] =	vst v63  }
0x28: {  	s0 =	sshll.u32 @!p1 s0, $0x9;
	s14 =	sadd.s32 @!p1 $0x80, s14;
	s16 =	sor.u32 @!p1 $0x10100, s31  }
0x29: {  	[tilespmem:s16], [sflag:$0x2] =	stream.linear.gather @!p1 [hbm4b:s14+s30], $0x80, $0x38;
	[tilespmem:$0x16200] =	vst v63  }
0x2a: {  	s0 =	sand.u32 @!p1 $0x1FFFFE00, s0;
	s14 =	sshll.u32 @!p1 s28, $0xC  }
0x2b: {  	p2 =	slt.u32 @!p1 s4, $0x2;
	s0 =	sadd.s32 @!p1 s2, s0;
	s14 =	sor.u32 @!p1 $0x10200, s14  }
0x2c: {  	[tilespmem:s14], [sflag:$0x2] =	stream.linear.gather @!p1 [hbm4b:s0+s30], $0x1000, $0x38;
	[tilespmem:$0x16200] =	vst v63  }
0x2d: {  	p1 =	por p1, !p2  }
0x2e: {  	_ =	swait.ge @p1 [sflag:s21], $0x1000  }
0x2f: {  	[sflag:s21] =	ssyncset.done @p1 $0x0  }
0x30: {  	[sflag:s21] =	ssyncadd.s32 @p1 $0xFFFFF000  }
0x31: {  	_ =	swait.ge [sflag:s20], $0x8000  }
0x32: {  	[sflag:s20] =	ssyncset.done $0x0  }
0x33: {  	s29 =	sadd.s32 s7, s4;
	s28 =	sshll.u32 s4, $0x7;
	[sflag:s20] =	ssyncadd.s32 $0xFFFF8000  }
0x34: {  	s4 =	simm.s32 $0x0;
	s18 =	sand.u32 $0x80, s28;
	_ =	swait.ge [sflag:s22], $0x100  }
0x35: {  	s0 =	simm.s32 $0x1;
	s19 =	sor.u32 $0x10000, s18;
	[sflag:s22] =	ssyncset.done $0x0  }
0x36: {  	s14 =	simm.s32 $0x0;
	s0 =	simm.s32 @!p0 $0x0;
	[sflag:s22] =	ssyncadd.s32 $0xFFFFFF00  }
0x37: {  	v9 =	vimm.f32 $0.0e+00;
	v10 =	vimm.f32 $0.0e+00;
	s16 =	sshll.u32 s0, $0xC;
	s0 =	sshll.u32 s0, $0xF;
	_ =	swait.ge [sflag:s22], $0x1000  }
0x38: {  	v11 =	vimm.f32 $0.0e+00;
	v12 =	vimm.f32 $0.0e+00;
	v8 =	vimm.f32 $0.0e+00;
	s30 =	sor.u32 $0x10280, s16;
	s31 =	sor.u32 $0x12280, s16;
	[sflag:s22] =	ssyncset.done $0x0  }
0x39: {  	v16 =	vimm.f32 $0.0e+00;
	v17 =	vimm.f32 $0.0e+00;
	v18 =	vimm.f32 $0.0e+00;
	s0 =	sor.u32 $0x400, s0;
	[dreg:$0x7] =	wrdreg s19;
	[sflag:s22] =	ssyncadd.s32 $0xFFFFF000  }
.LBB2_3:
0x3a: {  	v33 =	vld [tilespmem:s0+$0xFFFFFC10]  }
0x3b: {  	v43 =	vld [tilespmem:s0+$0xFFFFFC20]  }
0x3c: {  	v13 =	vld [tilespmem:s0+$0xFFFFFC60]  }
0x3d: {  	v14 =	vld [tilespmem:s0+$0xFFFFFC70]  }
0x3e: {  	v25 =	vld [tilespmem:s0+$0xFFFFFC80]  }
0x3f: {  	s16 =	rddreg [dreg:$0x7];
	s18 =	sand.u32 $0x100, s4;
	v37 =	vld [tilespmem:s0+$0xFFFFFC90]  }
0x40: {  	s19 =	sand.u32 $0x70, s14;
	v47 =	vld [tilespmem:s0+$0xFFFFFCA0];
	s16 =	sadd.s32 s18, s16  }
0x41: {  	v41 =	vld [tilespmem:s0+$0xFFFFFCB0];
	s16 =	sadd.s32 s19, s16  }
0x42: {  	[tilespmem:$0x1FFF0] =	vst v9;
	v9 =	vld [tilespmem:s16+$0x0]  }
0x43: {  	v32 =	vld [tilespmem:s0+$0xFFFFFCC0]  }
0x44: {  	v22 =	vld [tilespmem:s0+$0xFFFFFCD0]  }
0x45: {  	v15 =	vld [tilespmem:s0+$0xFFFFFCF0]  }
0x46: {  	v31 =	vld [tilespmem:s0+$0xFFFFFD00]  }
0x47: {  	v38 =	vld [tilespmem:s0+$0xFFFFFD10];
	(v2sf) =	vpush v9, $0x0  }
0x48: {  	v48 =	vld [tilespmem:s0+$0xFFFFFD20]  }
0x49: {  	v45 =	vld [tilespmem:s0+$0xFFFFFD30];
	(v2sf) =	vpush v9, $0x1  }
0x4a: {  	v36 =	vld [tilespmem:s0+$0xFFFFFD40]  }
0x4b: {  	v24 =	vld [tilespmem:s0+$0xFFFFFD50];
	(v2sf) =	vpush v9, $0x2  }
0x4c: {  	v19 =	vld [tilespmem:s0+$0xFFFFFD60]  }
0x4d: {  	v40 =	vld [tilespmem:s0+$0xFFFFFD80];
	(v2sf) =	vpush v9, $0x3  }
0x4e: {  	v49 =	vld [tilespmem:s0+$0xFFFFFD90]  }
0x4f: {  	v50 =	vld [tilespmem:s0+$0xFFFFFDA0];
	(v2sf) =	vpush v9, $0x4  }
0x50: {  	v51 =	vld [tilespmem:s0+$0xFFFFFDB0]  }
0x51: {  	v39 =	vld [tilespmem:s0+$0xFFFFFDC0];
	(v2sf) =	vpush v9, $0x5  }
0x52: {  	v30 =	vld [tilespmem:s0+$0xFFFFFDD0]  }
0x53: {  	v21 =	vld [tilespmem:s0+$0xFFFFFDE0];
	(v2sf) =	vpush v9, $0x6  }
0x54: {  	v5 =	vld [tilespmem:s0+$0xFFFFFDF0]  }
0x55: {  	v46 =	vld [tilespmem:s0+$0xFFFFFE00];
	(v2sf) =	vpush v9, $0x7  }
0x56: {  	v52 =	vld [tilespmem:s0+$0xFFFFFE10];
	s18 =	spop (v2sf)  }
0x57: {  	v53 =	vld [tilespmem:s0+$0xFFFFFE20];
	s16 =	sadd.f32 $0.0e+00, s18  }
0x58: {  	v54 =	vld [tilespmem:s0+$0xFFFFFE30];
	s19 =	spop (v2sf)  }
0x59: {  	v44 =	vld [tilespmem:s0+$0xFFFFFE40];
	s16 =	sadd.f32 s16, s19  }
0x5a: {  	v35 =	vld [tilespmem:s0+$0xFFFFFE50];
	s19 =	spop (v2sf)  }
0x5b: {  	v23 =	vld [tilespmem:s0+$0xFFFFFE60];
	s16 =	sadd.f32 s16, s19  }
0x5c: {  	v20 =	vld [tilespmem:s0+$0xFFFFFE70];
	s19 =	spop (v2sf)  }
0x5d: {  	v55 =	vld [tilespmem:s0+$0xFFFFFE80];
	s16 =	sadd.f32 s16, s19  }
0x5e: {  	[tilespmem:$0x1FFA0] =	vst v8;
	v8 =	vld [tilespmem:s0+$0xFFFFFC00];
	s19 =	spop (v2sf)  }
0x5f: {  	v56 =	vld [tilespmem:s0+$0xFFFFFE90];
	s16 =	sadd.f32 s16, s19  }
0x60: {  	v57 =	vld [tilespmem:s0+$0xFFFFFEA0];
	s19 =	spop (v2sf)  }
0x61: {  	v58 =	vld [tilespmem:s0+$0xFFFFFEB0];
	v26 =	vbroadcast v9, $0x0;
	s16 =	sadd.f32 s16, s19  }
0x62: {  	v59 =	vld [tilespmem:s0+$0xFFFFFEC0];
	s19 =	spop (v2sf)  }
0x63: {  	v42 =	vld [tilespmem:s0+$0xFFFFFED0];
	v28 =	vbroadcast v9, $0x1;
	v8 =	vmul.f32 v8, v26;
	s16 =	sadd.f32 s16, s19  }
0x64: {  	v34 =	vld [tilespmem:s0+$0xFFFFFEE0];
	s19 =	spop (v2sf)  }
0x65: {  	v61 =	vld [tilespmem:s0+$0xFFFFFF00];
	v29 =	vbroadcast v9, $0x2;
	v25 =	vmul.f32 v25, v28;
	v8 =	vadd.f32 $0.0e+00, v8;
	s16 =	sadd.f32 s16, s19  }
0x66: {  	v62 =	vld [tilespmem:s0+$0xFFFFFF10];
	v27 =	vbroadcast v9, $0x3  }
0x67: {  	v63 =	vld [tilespmem:s0+$0xFFFFFF20];
	v31 =	vmul.f32 v31, v29;
	v8 =	vadd.f32 v25, v8;
	v60 =	vmov s16  }
0x68: {  	v0 =	vld [tilespmem:s0+$0xFFFFFF30];
	v40 =	vmul.f32 v40, v27;
	v60 =	vmax.f32 v60, $1.000000000e+00  }
0x69: {  	v1 =	vld [tilespmem:s0+$0xFFFFFF80];
	v8 =	vadd.f32 v31, v8;
	v31 =	vbroadcast v9, $0x4;
	v60 =	vbroadcast v60, $0x0  }
0x6a: {  	v3 =	vld [tilespmem:s0+$0xFFFFFF50];
	v4 =	vmul.f32 v33, v26;
	v33 =	vbroadcast v9, $0x5  }
0x6b: {  	[tilespmem:$0x1FFE0] =	vst v10;
	v10 =	vld [tilespmem:s0+$0xFFFFFC30];
	v8 =	vadd.f32 v40, v8;
	v40 =	vmul.f32 v46, v31;
	(erf) = vrcp.f32 v60  }
0x6c: {  	[tilespmem:$0x1FFD0] =	vst v11;
	v11 =	vld [tilespmem:s0+$0xFFFFFC40];
	v46 =	vadd.f32 $0.0e+00, v4;
	v4 =	vmul.f32 v37, v28  }
0x6d: {  	[tilespmem:$0x1FFC0] =	vst v12;
	v12 =	vld [tilespmem:s0+$0xFFFFFC50];
	v37 =	vbroadcast v9, $0x6;
	v8 =	vadd.f32 v40, v8;
	v40 =	vmul.f32 v55, v33  }
0x6e: {  	[tilespmem:$0x1FF40] =	vst v18;
	v18 =	vld [tilespmem:s0+$0xFFFFFCE0];
	v2 =	vmul.f32 v38, v29  }
0x6f: {  	[tilespmem:$0x1FF80] =	vst v16;
	v16 =	vld [tilespmem:s0+$0xFFFFFD70];
	v38 =	vbroadcast v9, $0x7;
	v61 =	vmul.f32 v61, v37;
	v8 =	vadd.f32 v40, v8  }
0x70: {  	v25 =	vld [tilespmem:s0+$0xFFFFFEF0];
	v60 =	vadd.f32 v4, v46  }
0x71: {  	v1 =	vmul.f32 v1, v38;
	v55 =	vld [tilespmem:s0+$0xFFFFFF40];
	v8 =	vadd.f32 v61, v8  }
0x72: {  	v49 =	vmul.f32 v49, v27;
	v40 =	vld [tilespmem:s0+$0xFFFFFF70];
	v2 =	vadd.f32 v2, v60  }
0x73: {  	v61 =	vld [tilespmem:s30+$0xFFFFFF80];
	v1 =	vadd.f32 v1, v8  }
0x74: {  	v8 =	vmul.f32 v52, v31;
	v52 =	vld [tilespmem:s0+$0xFFFFFFA0];
	v2 =	vadd.f32 v49, v2;
	v49 =	vmul.f32 v43, v26;
	v4 =	vpop (erf)  }
0x75: {  	v46 =	vld [tilespmem:s0+$0xFFFFFF60];
	v43 =	vmul.f32 $5.000000000e-01, v4  }
0x76: {  	v47 =	vmul.f32 v47, v28;
	v60 =	vld [tilespmem:s0+$0xFFFFFF90];
	v49 =	vadd.f32 $0.0e+00, v49  }
0x77: {  	v2 =	vadd.f32 v8, v2;
	v8 =	vmul.f32 v56, v33;
	v56 =	vld [tilespmem:s0+$0xFFFFFFC0];
	v1 =	vmul.f32 v1, v43  }
0x78: {  	v48 =	vmul.f32 v48, v29;
	v47 =	vadd.f32 v47, v49;
	v49 =	vld [tilespmem:s0+$0xFFFFFFD0]  }
0x79: {  	v2 =	vadd.f32 v8, v2;
	v4 =	vld [tilespmem:s0+$0xFFFFFFB0];
	v6 =	vadd.f32 v61, v1;
	v1 =	vmul.f32 v62, v37  }
0x7a: {  	v47 =	vadd.f32 v48, v47;
	v48 =	vld [tilespmem:s0+$0xFFFFFFF0]  }
0x7b: {  	v61 =	vld [tilespmem:s0+$0xFFFFFFE0];
	v1 =	vadd.f32 v1, v2;
	v2 =	vmul.f32 v50, v27;
	v50 =	vmul.f32 v60, v38;
	[tilespmem:s31+$0xFFFFFF80] =	vst v6  }
0x7c: {  	v10 =	vmul.f32 v10, v26;
	v60 =	vld [tilespmem:s30+$0xFFFFFF90]  }
0x7d: {  	v53 =	vmul.f32 v53, v31;
	v2 =	vadd.f32 v2, v47;
	v1 =	vadd.f32 v50, v1  }
0x7e: {  	v41 =	vmul.f32 v41, v28;
	v10 =	vadd.f32 $0.0e+00, v10  }
0x7f: {  	v57 =	vmul.f32 v57, v33;
	v2 =	vadd.f32 v53, v2;
	v1 =	vmul.f32 v1, v43  }
0x80: {  	v45 =	vmul.f32 v45, v29;
	v41 =	vadd.f32 v41, v10  }
0x81: {  	v62 =	vmul.f32 v63, v37;
	[tilespmem:$0x1FF50] =	vst v6;
	v2 =	vadd.f32 v57, v2;
	v6 =	vadd.f32 v60, v1  }
0x82: {  	v63 =	vadd.f32 v45, v41  }
0x83: {  	v50 =	vmul.f32 v51, v27;
	v51 =	vmul.f32 v52, v38;
	v2 =	vadd.f32 v62, v2;
	[tilespmem:s31+$0xFFFFFF90] =	vst v6  }
0x84: {  	v11 =	vmul.f32 v11, v26;
	v52 =	vld [tilespmem:s30+$0xFFFFFFA0]  }
0x85: {  	v53 =	vmul.f32 v54, v31;
	v1 =	vadd.f32 v50, v63;
	v2 =	vadd.f32 v51, v2  }
0x86: {  	v32 =	vmul.f32 v32, v28;
	v11 =	vadd.f32 $0.0e+00, v11  }
0x87: {  	v54 =	vmul.f32 v58, v33;
	v1 =	vadd.f32 v53, v1;
	v2 =	vmul.f32 v2, v43  }
0x88: {  	v36 =	vmul.f32 v36, v29;
	v32 =	vadd.f32 v32, v11  }
0x89: {  	v0 =	vmul.f32 v0, v37;
	[tilespmem:$0x1FF60] =	vst v6;
	v1 =	vadd.f32 v54, v1;
	v6 =	vadd.f32 v52, v2  }
0x8a: {  	v58 =	vmul.f32 v39, v27  }
0x8b: {  	v57 =	vadd.f32 v36, v32;
	v60 =	vmul.f32 v4, v38;
	v0 =	vadd.f32 v0, v1;
	[tilespmem:s31+$0xFFFFFFA0] =	vst v6  }
0x8c: {  	v62 =	vmul.f32 v12, v26;
	v12 =	vld [tilespmem:s30+$0xFFFFFFB0]  }
0x8d: {  	v63 =	vmul.f32 v44, v31;
	v2 =	vadd.f32 v58, v57;
	v0 =	vadd.f32 v60, v0  }
0x8e: {  	v39 =	vmul.f32 v22, v28;
	v36 =	vadd.f32 $0.0e+00, v62  }
0x8f: {  	v41 =	vmul.f32 v59, v33;
	v2 =	vadd.f32 v63, v2;
	v0 =	vmul.f32 v0, v43  }
0x90: {  	v45 =	vmul.f32 v55, v37;
	v1 =	vadd.f32 v39, v36  }
0x91: {  	v44 =	vmul.f32 v24, v29;
	[tilespmem:$0x1FF90] =	vst v6;
	v2 =	vadd.f32 v41, v2;
	v6 =	vadd.f32 v12, v0  }
0x92: {  	v50 =	vmul.f32 v30, v27  }
0x93: {  	v51 =	vmul.f32 v56, v38;
	v47 =	vadd.f32 v44, v1;
	v2 =	vadd.f32 v45, v2;
	[tilespmem:s31+$0xFFFFFFB0] =	vst v6  }
0x94: {  	v13 =	vmul.f32 v13, v26;
	v52 =	vld [tilespmem:s30+$0xFFFFFFC0]  }
0x95: {  	v53 =	vmul.f32 v35, v31;
	v0 =	vadd.f32 v50, v47;
	v2 =	vadd.f32 v51, v2  }
0x96: {  	v54 =	vadd.f32 $0.0e+00, v13;
	v13 =	vmul.f32 v18, v28  }
0x97: {  	v55 =	vmul.f32 v42, v33;
	v0 =	vadd.f32 v53, v0;
	v2 =	vmul.f32 v2, v43  }
0x98: {  	v18 =	vmul.f32 v19, v29;
	v4 =	vadd.f32 v13, v54  }
0x99: {  	[tilespmem:$0x1FF70] =	vst v17;
	v56 =	vmul.f32 v3, v37;
	v0 =	vadd.f32 v55, v0;
	v17 =	vadd.f32 v52, v2  }
0x9a: {  	v59 =	vmul.f32 v49, v38  }
0x9b: {  	v57 =	vadd.f32 v18, v4;
	v58 =	vmul.f32 v21, v27;
	v0 =	vadd.f32 v56, v0;
	[tilespmem:s31+$0xFFFFFFC0] =	vst v17  }
0x9c: {  	v60 =	vmul.f32 v14, v26;
	v14 =	vld [tilespmem:s30+$0xFFFFFFD0]  }
0x9d: {  	v62 =	vmul.f32 v23, v31;
	v2 =	vadd.f32 v58, v57;
	v0 =	vadd.f32 v59, v0  }
0x9e: {  	v21 =	vmul.f32 v15, v28;
	v63 =	vadd.f32 $0.0e+00, v60  }
0x9f: {  	v22 =	vmul.f32 v34, v33;
	v2 =	vadd.f32 v62, v2;
	v0 =	vmul.f32 v0, v43  }
0xa0: {  	v24 =	vmul.f32 v46, v37;
	v1 =	vadd.f32 v21, v63  }
0xa1: {  	v23 =	vmul.f32 v16, v29;
	v2 =	vadd.f32 v22, v2;
	v14 =	vadd.f32 v14, v0  }
0xa2: {  	v27 =	vmul.f32 v5, v27  }
0xa3: {  	v28 =	vmul.f32 v61, v38;
	v26 =	vadd.f32 v23, v1;
	v2 =	vadd.f32 v24, v2;
	[tilespmem:s31+$0xFFFFFFD0] =	vst v14  }
0xa4: {  	v29 =	vld [tilespmem:s30+$0xFFFFFFE0]  }
0xa5: {  	v30 =	vmul.f32 v20, v31;
	v0 =	vadd.f32 v27, v26;
	v2 =	vadd.f32 v28, v2;
	_ =	sdelay $0x1  }
0xa6: {  	v31 =	vmul.f32 v25, v33;
	v0 =	vadd.f32 v30, v0;
	v2 =	vmul.f32 v2, v43;
	_ =	sdelay $0x1  }
0xa7: {  	v32 =	vmul.f32 v40, v37;
	v0 =	vadd.f32 v31, v0;
	v15 =	vadd.f32 v29, v2;
	_ =	sdelay $0x1  }
0xa8: {  	v33 =	vmul.f32 v48, v38;
	v0 =	vadd.f32 v32, v0;
	[tilespmem:s31+$0xFFFFFFE0] =	vst v15  }
0xa9: {  	v34 =	vld [tilespmem:s30+$0xFFFFFFF0]  }
0xaa: {  	v0 =	vadd.f32 v33, v0;
	_ =	sdelay $0x1  }
0xab: {  	v0 =	vmul.f32 v0, v43;
	_ =	sdelay $0x1  }
0xac: {  	v16 =	vadd.f32 v34, v0;
	_ =	sdelay $0x1  }
0xad: {  	[tilespmem:s31+$0xFFFFFFF0] =	vst v16  }
0xae: {  	v0 =	vld [tilespmem:s0+$0x0]  }
0xaf: {  	v1 =	vld [tilespmem:s0+$0x10]  }
0xb0: {  	v11 =	vld [tilespmem:s0+$0x20]  }
0xb1: {  	v46 =	vld [tilespmem:s0+$0x30]  }
0xb2: {  	v32 =	vld [tilespmem:s0+$0x40]  }
0xb3: {  	v25 =	vld [tilespmem:s0+$0x50]  }
0xb4: {  	v20 =	vld [tilespmem:s0+$0x60]  }
0xb5: {  	v35 =	vld [tilespmem:s0+$0x70]  }
0xb6: {  	v3 =	vld [tilespmem:s0+$0x80]  }
0xb7: {  	v4 =	vld [tilespmem:s0+$0x90]  }
0xb8: {  	(v2sf) =	vpush v9, $0x8;
	v51 =	vld [tilespmem:s0+$0xA0]  }
0xb9: {  	v48 =	vld [tilespmem:s0+$0xB0]  }
0xba: {  	(v2sf) =	vpush v9, $0x9;
	v38 =	vld [tilespmem:s0+$0xC0]  }
0xbb: {  	v27 =	vld [tilespmem:s0+$0xD0]  }
0xbc: {  	(v2sf) =	vpush v9, $0xA;
	v22 =	vld [tilespmem:s0+$0xE0]  }
0xbd: {  	v18 =	vld [tilespmem:s0+$0xF0]  }
0xbe: {  	(v2sf) =	vpush v9, $0xB;
	v30 =	vld [tilespmem:s0+$0x100]  }
0xbf: {  	v44 =	vld [tilespmem:s0+$0x110]  }
0xc0: {  	(v2sf) =	vpush v9, $0xC;
	v54 =	vld [tilespmem:s0+$0x120]  }
0xc1: {  	v52 =	vld [tilespmem:s0+$0x130]  }
0xc2: {  	(v2sf) =	vpush v9, $0xD;
	v42 =	vld [tilespmem:s0+$0x140]  }
0xc3: {  	v29 =	vld [tilespmem:s0+$0x150]  }
0xc4: {  	(v2sf) =	vpush v9, $0xE;
	v23 =	vld [tilespmem:s0+$0x160]  }
0xc5: {  	v19 =	vld [tilespmem:s0+$0x170]  }
0xc6: {  	(v2sf) =	vpush v9, $0xF;
	v37 =	vld [tilespmem:s0+$0x180]  }
0xc7: {  	s18 =	spop (v2sf);
	v47 =	vld [tilespmem:s0+$0x190]  }
0xc8: {  	s16 =	sadd.f32 $0.0e+00, s18;
	v55 =	vld [tilespmem:s0+$0x1A0]  }
0xc9: {  	s19 =	spop (v2sf);
	v56 =	vld [tilespmem:s0+$0x1B0]  }
0xca: {  	s16 =	sadd.f32 s16, s19;
	v45 =	vld [tilespmem:s0+$0x1C0]  }
0xcb: {  	s19 =	spop (v2sf);
	v34 =	vld [tilespmem:s0+$0x1D0]  }
0xcc: {  	s16 =	sadd.f32 s16, s19;
	v26 =	vld [tilespmem:s0+$0x1E0]  }
0xcd: {  	s19 =	spop (v2sf);
	v21 =	vld [tilespmem:s0+$0x1F0]  }
0xce: {  	s16 =	sadd.f32 s16, s19;
	v39 =	vld [tilespmem:s0+$0x200]  }
0xcf: {  	s19 =	spop (v2sf);
	v57 =	vld [tilespmem:s0+$0x210]  }
0xd0: {  	s16 =	sadd.f32 s16, s19;
	v58 =	vld [tilespmem:s0+$0x220]  }
0xd1: {  	s19 =	spop (v2sf);
	v59 =	vld [tilespmem:s0+$0x230]  }
0xd2: {  	s16 =	sadd.f32 s16, s19;
	v50 =	vld [tilespmem:s0+$0x240]  }
0xd3: {  	s19 =	spop (v2sf);
	v41 =	vld [tilespmem:s0+$0x250]  }
0xd4: {  	s16 =	sadd.f32 s16, s19;
	v28 =	vld [tilespmem:s0+$0x260]  }
0xd5: {  	s19 =	spop (v2sf);
	v24 =	vld [tilespmem:s0+$0x270]  }
0xd6: {  	s16 =	sadd.f32 s16, s19;
	v31 =	vbroadcast v9, $0x8;
	v43 =	vld [tilespmem:s0+$0x280]  }
0xd7: {  	v60 =	vld [tilespmem:s0+$0x290]  }
0xd8: {  	v36 =	vmov s16;
	v33 =	vbroadcast v9, $0x9;
	v61 =	vld [tilespmem:s0+$0x2A0];
	v0 =	vmul.f32 v0, v31  }
0xd9: {  	v40 =	vmax.f32 v36, $1.000000000e+00;
	v62 =	vld [tilespmem:s0+$0x2B0]  }
0xda: {  	v63 =	vld [tilespmem:s0+$0x2C0];
	[tilespmem:$0x1FF30] =	vst v35;
	v3 =	vmul.f32 v3, v33;
	v35 =	vbroadcast v9, $0xA;
	v0 =	vadd.f32 $0.0e+00, v0  }
0xdb: {  	v53 =	vbroadcast v40, $0x0;
	v49 =	vld [tilespmem:s0+$0x2D0]  }
0xdc: {  	v36 =	vbroadcast v9, $0xB;
	v40 =	vld [tilespmem:s0+$0x2E0];
	v0 =	vadd.f32 v3, v0;
	v3 =	vmul.f32 v30, v35  }
0xdd: {  	(erf) = vrcp.f32 v53;
	v53 =	vld [tilespmem:s0+$0x300]  }
0xde: {  	[tilespmem:$0x1FFB0] =	vst v6;
	v6 =	vld [tilespmem:s0+$0x310];
	v0 =	vadd.f32 v3, v0;
	v3 =	vmul.f32 v37, v36;
	v37 =	vbroadcast v9, $0xC  }
0xdf: {  	v7 =	vld [tilespmem:s0+$0x320];
	v1 =	vmul.f32 v1, v31  }
0xe0: {  	v8 =	vld [tilespmem:s0+$0x330];
	v0 =	vadd.f32 v3, v0;
	v3 =	vmul.f32 v39, v37;
	v39 =	vbroadcast v9, $0xD  }
0xe1: {  	v2 =	vld [tilespmem:s0+$0x380];
	v4 =	vmul.f32 v4, v33;
	v1 =	vadd.f32 $0.0e+00, v1  }
0xe2: {  	v12 =	vld [tilespmem:s0+$0x340];
	v0 =	vadd.f32 v3, v0;
	v3 =	vmul.f32 v43, v39;
	v43 =	vbroadcast v9, $0xE  }
0xe3: {  	v13 =	vld [tilespmem:s0+$0x350];
	v44 =	vmul.f32 v44, v35;
	v1 =	vadd.f32 v4, v1  }
0xe4: {  	v5 =	vld [tilespmem:s0+$0x390];
	v9 =	vbroadcast v9, $0xF;
	v0 =	vadd.f32 v3, v0;
	v3 =	vmul.f32 v53, v43  }
0xe5: {  	v10 =	vld [tilespmem:s0+$0x3D0];
	v4 =	vmul.f32 v47, v36;
	v1 =	vadd.f32 v44, v1  }
0xe6: {  	v30 =	vld [tilespmem:s0+$0x2F0];
	v2 =	vmul.f32 v2, v9;
	v0 =	vadd.f32 v3, v0  }
0xe7: {  	v1 =	vadd.f32 v4, v1;
	v4 =	vmul.f32 v11, v31;
	v11 =	vpop (erf);
	v3 =	vld [tilespmem:s30+$0x0]  }
0xe8: {  	v47 =	vld [tilespmem:s0+$0x370];
	v44 =	vmul.f32 $5.000000000e-01, v11;
	v0 =	vadd.f32 v2, v0;
	v2 =	vmul.f32 v57, v37  }
0xe9: {  	v51 =	vmul.f32 v51, v33;
	v11 =	vld [tilespmem:s0+$0x3A0];
	v4 =	vadd.f32 $0.0e+00, v4  }
0xea: {  	v53 =	vld [tilespmem:s0+$0x360];
	v1 =	vadd.f32 v2, v1;
	v2 =	vmul.f32 v60, v39;
	v0 =	vmul.f32 v0, v44  }
0xeb: {  	v54 =	vmul.f32 v54, v35;
	v4 =	vadd.f32 v51, v4;
	v57 =	vld [tilespmem:s0+$0x3B0]  }
0xec: {  	v60 =	vld [tilespmem:s0+$0x3C0];
	v1 =	vadd.f32 v2, v1;
	v51 =	vadd.f32 v3, v0;
	v0 =	vmul.f32 v6, v43  }
0xed: {  	v55 =	vmul.f32 v55, v36;
	v2 =	vld [tilespmem:s0+$0x3E0]  }
0xee: {  	v5 =	vmul.f32 v5, v9;
	v3 =	vadd.f32 v54, v4;
	v4 =	vld [tilespmem:s0+$0x3F0];
	v0 =	vadd.f32 v0, v1;
	[tilespmem:s31+$0x0] =	vst v51  }
0xef: {  	v6 =	vmul.f32 v46, v31;
	v54 =	vld [tilespmem:s30+$0x10]  }
0xf0: {  	v1 =	vadd.f32 v55, v3;
	v55 =	vmul.f32 v58, v37;
	v0 =	vadd.f32 v5, v0  }
0xf1: {  	v58 =	vadd.f32 $0.0e+00, v6;
	v6 =	vmul.f32 v48, v33  }
0xf2: {  	v48 =	vmul.f32 v61, v39;
	v1 =	vadd.f32 v55, v1;
	v0 =	vmul.f32 v0, v44  }
0xf3: {  	v5 =	vadd.f32 v6, v58;
	v6 =	vmul.f32 v52, v35  }
0xf4: {  	v1 =	vadd.f32 v48, v1;
	v0 =	vadd.f32 v54, v0;
	v54 =	vmul.f32 v7, v43  }
0xf5: {  	v55 =	vmul.f32 v56, v36;
	v5 =	vadd.f32 v6, v5  }
0xf6: {  	v6 =	vmul.f32 v11, v9;
	v7 =	vmul.f32 v32, v31;
	v1 =	vadd.f32 v54, v1;
	[tilespmem:s31+$0x10] =	vst v0  }
0xf7: {  	v56 =	vmul.f32 v59, v37;
	v3 =	vadd.f32 v55, v5;
	v11 =	vld [tilespmem:s30+$0x20]  }
0xf8: {  	v1 =	vadd.f32 v6, v1;
	v6 =	vadd.f32 $0.0e+00, v7;
	v7 =	vmul.f32 v38, v33  }
0xf9: {  	v58 =	vmul.f32 v62, v39;
	v3 =	vadd.f32 v56, v3  }
0xfa: {  	v1 =	vmul.f32 v1, v44;
	v6 =	vadd.f32 v7, v6;
	v7 =	vmul.f32 v42, v35  }
0xfb: {  	v59 =	vmul.f32 v8, v43;
	v3 =	vadd.f32 v58, v3  }
0xfc: {  	v1 =	vadd.f32 v11, v1;
	v6 =	vadd.f32 v7, v6;
	v7 =	vmul.f32 v45, v36  }
0xfd: {  	v61 =	vmul.f32 v57, v9;
	v8 =	vmul.f32 v25, v31  }
0xfe: {  	v62 =	vmul.f32 v50, v37;
	v3 =	vadd.f32 v59, v3;
	[tilespmem:s31+$0x20] =	vst v1;
	v6 =	vadd.f32 v7, v6  }
0xff: {  	v7 =	vadd.f32 $0.0e+00, v8;
	v8 =	vmul.f32 v27, v33;
	v11 =	vld [tilespmem:s30+$0x30]  }
0x100: {  	v3 =	vadd.f32 v61, v3;
	v5 =	vadd.f32 v62, v6;
	v6 =	vmul.f32 v63, v39  }
0x101: {  	v7 =	vadd.f32 v8, v7;
	v8 =	vmul.f32 v29, v35  }
0x102: {  	v3 =	vmul.f32 v3, v44;
	v5 =	vadd.f32 v6, v5;
	v6 =	vmul.f32 v12, v43  }
0x103: {  	v7 =	vadd.f32 v8, v7;
	v8 =	vmul.f32 v34, v36  }
0x104: {  	v3 =	vadd.f32 v11, v3;
	v5 =	vadd.f32 v6, v5;
	v6 =	vmul.f32 v60, v9  }
0x105: {  	v11 =	vmul.f32 v20, v31  }
0x106: {  	v7 =	vadd.f32 v8, v7;
	[tilespmem:s31+$0x30] =	vst v3;
	v5 =	vadd.f32 v6, v5;
	v6 =	vmul.f32 v41, v37  }
0x107: {  	v8 =	vadd.f32 $0.0e+00, v11;
	v11 =	vmul.f32 v22, v33;
	v12 =	vld [tilespmem:s30+$0x40]  }
0x108: {  	v6 =	vadd.f32 v6, v7  }
0x109: {  	v7 =	vmul.f32 v49, v39;
	v8 =	vadd.f32 v11, v8;
	v11 =	vmul.f32 v23, v35  }
0x10a: {  	v5 =	vmul.f32 v5, v44  }
0x10b: {  	v6 =	vadd.f32 v7, v6;
	v7 =	vmul.f32 v13, v43;
	v8 =	vadd.f32 v11, v8;
	v11 =	vld [tilespmem:$0x1FF30]  }
0x10c: {  	v5 =	vadd.f32 v12, v5  }
0x10d: {  	v6 =	vadd.f32 v7, v6;
	v7 =	vmul.f32 v26, v36  }
0x10e: {  	v10 =	vmul.f32 v10, v9;
	[tilespmem:s31+$0x40] =	vst v5  }
0x10f: {  	v7 =	vadd.f32 v7, v8;
	v8 =	vmul.f32 v28, v37;
	v12 =	vld [tilespmem:s30+$0x50]  }
0x110: {  	v6 =	vadd.f32 v10, v6;
	v11 =	vmul.f32 v11, v31  }
0x111: {  	v7 =	vadd.f32 v8, v7;
	v8 =	vmul.f32 v40, v39  }
0x112: {  	v10 =	vmul.f32 v18, v33;
	v6 =	vmul.f32 v6, v44;
	v11 =	vadd.f32 $0.0e+00, v11  }
0x113: {  	v7 =	vadd.f32 v8, v7;
	v8 =	vmul.f32 v53, v43  }
0x114: {  	v10 =	vadd.f32 v10, v11;
	v11 =	vmul.f32 v19, v35;
	v6 =	vadd.f32 v12, v6  }
0x115: {  	v2 =	vmul.f32 v2, v9  }
0x116: {  	v7 =	vadd.f32 v8, v7;
	v10 =	vadd.f32 v11, v10;
	v11 =	vmul.f32 v21, v36;
	[tilespmem:s31+$0x50] =	vst v6  }
0x117: {  	v8 =	vld [tilespmem:s30+$0x60]  }
0x118: {  	v13 =	vld [tilespmem:$0x1FFD0];
	v2 =	vadd.f32 v2, v7;
	v10 =	vadd.f32 v11, v10;
	v11 =	vmul.f32 v24, v37  }
0x119: {  	v12 =	vld [tilespmem:$0x1FF90]  }
0x11a: {  	v2 =	vmul.f32 v2, v44;
	v7 =	vadd.f32 v11, v10;
	v10 =	vmul.f32 v30, v39;
	v11 =	vld [tilespmem:$0x1FF80]  }
0x11b: {  	v4 =	vmul.f32 v4, v9;
	v9 =	vld [tilespmem:$0x1FF50]  }
0x11c: {  	v7 =	vadd.f32 v10, v7;
	v10 =	vmul.f32 v47, v43;
	v2 =	vadd.f32 v8, v2;
	v8 =	vld [tilespmem:$0x1FF40]  }
0x11d: {  	v13 =	vadd.f32 v14, v13;
	v14 =	vld [tilespmem:$0x1FFE0]  }
0x11e: {  	v7 =	vadd.f32 v10, v7;
	v10 =	vld [tilespmem:$0x1FF70]  }
0x11f: {  	v11 =	vadd.f32 v12, v11;
	v12 =	vld [tilespmem:$0x1FFB0]  }
0x120: {  	v4 =	vadd.f32 v4, v7;
	v7 =	vld [tilespmem:$0x1FFA0]  }
0x121: {  	v8 =	vadd.f32 v9, v8;
	v9 =	vld [tilespmem:$0x1FF60];
	_ =	sdelay $0x1  }
0x122: {  	v14 =	vadd.f32 v15, v14;
	v15 =	vld [tilespmem:$0x1FFF0];
	_ =	sdelay $0x1  }
0x123: {  	[tilespmem:s31+$0x60] =	vst v2;
	v7 =	vadd.f32 v12, v7;
	v12 =	vld [tilespmem:$0x1FFC0]  }
0x124: {  	v9 =	vadd.f32 v9, v10;
	v10 =	vld [tilespmem:s30+$0x70];
	_ =	sdelay $0x1  }
0x125: {  	p1 =	sne.s32 s14, $0xF0;
	v15 =	vadd.f32 v16, v15  }
.Ltmp0:
0x126: {  	v16 =	vadd.f32 v1, v11;
	v11 =	vadd.f32 v6, v13;
	v4 =	vmul.f32 v4, v44;
	(pc) =	sbr.rel @p1 .LBB2_3-.Ltmp0, $4  }
0x127: {  	v18 =	vadd.f32 v51, v8;
	v12 =	vadd.f32 v17, v12  }
0x128: {  	v8 =	vadd.f32 v3, v7;
	v63 =	vadd.f32 v10, v4  }
0x129: {  	s4 =	sadd.s32 $0x20, s4;
	s14 =	sadd.s32 $0x10, s14;
	v17 =	vadd.f32 v0, v9;
	v12 =	vadd.f32 v5, v12  }
0x12a: {  	s0 =	sadd.s32 $0x800, s0;
	s30 =	sadd.s32 $0x100, s30;
	v10 =	vadd.f32 v2, v14;
	[tilespmem:s31+$0x70] =	vst v63;
	v9 =	vadd.f32 v63, v15;
	s31 =	sadd.s32 $0x100, s31  }
0x12b: {  	v0 =	vld [tilespmem:s28+$0x14200]  }
0x12c: {  	v1 =	vld [tilespmem:s28+$0x14210]  }
0x12d: {  	v2 =	vld [tilespmem:s28+$0x14220]  }
0x12e: {  	v3 =	vmul.f32 $1.562500000e-02, v18;
	v4 =	vld [tilespmem:s28+$0x14230]  }
0x12f: {  	v5 =	vmul.f32 $1.562500000e-02, v17;
	v6 =	vld [tilespmem:s28+$0x14240]  }
0x130: {  	v50 =	vmul.f32 $1.562500000e-02, v16;
	v7 =	vld [tilespmem:s28+$0x14250];
	v0 =	vadd.f32 v0, v3  }
0x131: {  	v51 =	vmul.f32 $1.562500000e-02, v8;
	v52 =	vld [tilespmem:s28+$0x14260];
	v1 =	vadd.f32 v1, v5  }
0x132: {  	v54 =	vmul.f32 $1.562500000e-02, v12;
	v55 =	vld [tilespmem:s28+$0x14270];
	v53 =	vadd.f32 v2, v50;
	[tilespmem:s28+$0x15200] =	vst v0  }
0x133: {  	v57 =	vmul.f32 $1.562500000e-02, v11;
	v56 =	vadd.f32 v4, v51;
	[tilespmem:s28+$0x15210] =	vst v1  }
0x134: {  	v59 =	vmul.f32 $1.562500000e-02, v10;
	v58 =	vadd.f32 v6, v54;
	[tilespmem:s28+$0x15220] =	vst v53  }
0x135: {  	v61 =	vmul.f32 $1.562500000e-02, v9;
	v60 =	vadd.f32 v7, v57;
	[tilespmem:s28+$0x15230] =	vst v56  }
0x136: {  	p1 =	sne.s32 s25, $0x20;
	v62 =	vadd.f32 v52, v59;
	[tilespmem:s28+$0x15240] =	vst v58  }
.Ltmp1:
0x137: {  	v63 =	vadd.f32 v55, v61;
	[tilespmem:s28+$0x15250] =	vst v60;
	(pc) =	sbr.rel @p1 .LBB2_2-.Ltmp1, $4  }
0x138: {  	s0 =	sshll.u32 s26, $0xC;
	s4 =	sshll.u32 s29, $0x9;
	[tilespmem:s28+$0x15260] =	vst v62  }
0x139: {  	s0 =	sor.u32 $0x12200, s0;
	s4 =	sadd.s32 s3, s4;
	[tilespmem:s28+$0x15270] =	vst v63  }
0x13a: {  	[hbm4b:s4+s5] =	stream.linear.scatter [tilespmem:s0], [sflag:$0x3], $0x1000, $0x38;
	[tilespmem:$0x16200] =	vst v63  }
0x13b: {  	p0 =	por !p0, !p0;
	s4 =	smov.u32 s25  }
0x13c: {  	_ =	swait.ge [sflag:s21], $0x1000  }
0x13d: {  	[sflag:s21] =	ssyncset.done $0x0  }
0x13e: {  	[sflag:s21] =	ssyncadd.s32 $0xFFFFF000  }
0x13f: {  	s24 =	sadd.s32 $0x1, s24;
	_ =	swait.ge [sflag:s21], $0x1000  }
0x140: {  	p0 =	sne.s32 s24, s13;
	[sflag:s21] =	ssyncset.done $0x0  }
.Ltmp2:
0x141: {  	[sflag:s21] =	ssyncadd.s32 $0xFFFFF000;
	(pc) =	sbr.rel @p0 .LBB2_1-.Ltmp2, $4  }
0x142: {  	[hbm4b:s12+s5] =	stream.linear.scatter [tilespmem:s23], [sflag:$0x4], $0x1000, $0x38;
	[tilespmem:$0x16200] =	vst v63  }
0x143: {  	_ =	swait.ge [sflag:s15], $0x1000  }
0x144: {  	[sflag:s15] =	ssyncset.done $0x0  }
0x145: {  	[sflag:s15] =	ssyncadd.s32 $0xFFFFF000  }
0x146: {  	_ =	sfence.sel $0x180000  }
0x147: {  	[bflag:$0x0] =	sbarrier.arrive $0xFFFF  }
0x148: {  	_ =	strace $0x90000047  }
0x149: {  	s0 =	stileid.u32;
	[bflag:$0x2] =	sbarrier.arrive $0xFFFF  }
0x14a: {  	p0 =	sne.s32 s0, $0x0;
	s0 =	rddreg [dreg:$0x6]  }
0x14b: {  	s0 =	sadd.s32 @!p0 $0x100000, s0  }
0x14c: {  	[sflag:s0] =	ssyncadd.tile.s32 @!p0 $0x1;
	_ =	shalt  }
.Lfunc_end2:
_tile_overlayer_lowered:
.L_overlay_start_2:
0x14d: {  	(tag) =	ssettag $0x2  }
0x14e: {  	s0 =	rddreg [dreg:$0x0];
	s2 =	stileid.u32  }
0x14f: {  	s1 =	rddreg [dreg:$0x1];
	p0 =	sne.s32 s2, $0x0  }
0x150: {  	s3 =	rddreg [dreg:$0x2];
	[bflag:$0x3] =	sbarrier.arrive $0xFFFF;
	s2 =	simm.s32 @!p0 $0x1C04  }
0x151: {  	[timem:s3], [sflag:s2] =	dma.local @!p0 [hbm:s0], s1  }
0x152: {  	s0 =	simm.s32 @!p0 $0x4  }
0x153: {  	_ =	swait.ge @!p0 [sflag:s0], s1  }
0x154: {  	s1 =	ssub.s32 @!p0 $0x0, s1;
	[sflag:s0] =	ssyncset.done @!p0 $0x0  }
0x155: {  	[sflag:s0] =	ssyncadd.s32 @!p0 s1  }
0x156: {  	[bflag:$0x3] =	sbarrier.arrive $0xFFFF  }
0x157: {  	_ =	shalt  }

</sc_bundles>
